<compile_context>
chip_gen: v7x
topology: tpu7x:2x2x1
jax: 0.10.2.dev20260603
libtpu: 0.0.44.dev20260713+nightly
codegen_flags: <defaults>
</compile_context>

<pallas_src>
import functools

import jax
import jax.numpy as jnp
from jax import lax
from jax.experimental import pallas as pl
from jax.experimental.pallas import tpu as pltpu
from jax.experimental.pallas import tpu_sc as plsc

_NC = 2
_NS = 16
_NW = _NC * _NS

_SPC = 1
_NBUF = 6


@functools.lru_cache(maxsize=None)
def _build_sc_gather(seq, bsz, v, h, nch):
    nbuf = _NBUF
    spc = _SPC
    mesh = plsc.VectorSubcoreMesh(
        core_axis_name="c", subcore_axis_name="s",
        num_cores=_NC, num_subcores=_NS,
    )

    @functools.partial(
        pl.kernel,
        out_type=jax.ShapeDtypeStruct((seq, bsz, h), jnp.float32),
        mesh=mesh,
        scratch_types=[
            pltpu.VMEM((nch, spc, bsz), jnp.int32),
            pltpu.VMEM((nbuf, spc, bsz, h), jnp.float32),
        ] + [pltpu.SemaphoreType.DMA] * (2 * nbuf),
    )
    def body(idx_hbm, table_hbm, out_hbm, idx_v, buf, *sems):
        gsems = sems[:nbuf]
        wsems = sems[nbuf:]
        wid = lax.axis_index("c") * _NS + lax.axis_index("s")
        sbase = wid * (nch * spc)
        pltpu.sync_copy(idx_hbm.at[wid], idx_v)

        def gather_start(j, p):
            for t in range(spc):
                pltpu.async_copy(table_hbm.at[idx_v.at[j, t]],
                                 buf.at[p, t], gsems[p])

        def gather_wait(j, p):
            for t in range(spc):
                pltpu.make_async_copy(table_hbm.at[idx_v.at[j, t]],
                                      buf.at[p, t], gsems[p]).wait()

        def out_slice(j):
            return out_hbm.at[pl.ds(sbase + j * spc, spc)]

        def write_start(j, p):
            pltpu.async_copy(buf.at[p], out_slice(j), wsems[p])

        def write_wait(j, p):
            pltpu.make_async_copy(buf.at[p], out_slice(j), wsems[p]).wait()

        gather_start(0, 0)
        gather_start(1, 1)

        def visit(j, p):
            gather_wait(j, p)
            write_start(j, p)

            @pl.when((j >= nbuf - 2) & (j + 2 < nch))
            def _():
                write_wait(j + 2 - nbuf, (p + 2) % nbuf)

            @pl.when(j + 2 < nch)
            def _():
                gather_start(j + 2, (p + 2) % nbuf)

        def loop_body(jj, carry):
            j0 = jj * nbuf
            for p in range(nbuf):
                visit(j0 + p, p)
            return carry

        ngroups = nch // nbuf
        lax.fori_loop(0, ngroups, loop_body, 0)
        for j in range(ngroups * nbuf, nch):
            visit(j, j % nbuf)
        for j in range(nch - nbuf, nch):
            write_wait(j, j % nbuf)

    return body


def kernel(input_ids, word_embeddings):
    b, s = input_ids.shape
    v, h = word_embeddings.shape
    nch = s // (_NW * _SPC)
    idx = jnp.transpose(input_ids.astype(jnp.int32)).reshape(
        _NW, nch, _SPC, b)
    table = word_embeddings.astype(jnp.float32)
    return _build_sc_gather(s, b, v, h, nch)(idx, table)

# --- scband reference (transcript-rebuilt; emitter-appended) ---
"""Pipeline reference for scband-embedding-35493609734489 (READ-ONLY COPY).

The authoritative reference and input builder live on the scoring server;
editing this copy changes nothing except your own understanding.
"""

import jax, jax.numpy as jnp
import numpy as np

VOCAB = 65024
HIDDEN = 4096
BATCH = 4
SEQ = 8192


def setup_inputs(seed: int = 0) -> dict:
    key = jax.random.key(seed)
    k_ids, k_tab = jax.random.split(key)
    input_ids = jax.random.randint(k_ids, (BATCH, SEQ), 0, VOCAB, dtype=jnp.int64 if jax.config.jax_enable_x64 else jnp.int32)
    word_embeddings = jax.random.normal(k_tab, (VOCAB, HIDDEN), dtype=jnp.float32) * 0.02
    return {"input_ids": input_ids, "word_embeddings": word_embeddings}


def reference(input_ids, word_embeddings):
    # nn.Embedding lookup: gather rows of the table
    words_embeddings = jnp.take(word_embeddings, input_ids, axis=0)  # [B, S, H]
    embeddings = words_embeddings
    # transpose(0, 1): [B, S, H] -> [S, B, H]
    embeddings = jnp.transpose(embeddings, (1, 0, 2))
    # fp32_residual_connection=False -> no cast (already float32)
    return embeddings

if __name__ == "__main__":
    import jax
    _d = setup_inputs()
    print(jax.jit(kernel)(*tuple(_d.values())))

</pallas_src>

<mosaic_0001>
#map = affine_map<(d0, d1) -> (0, 0, 0, 0)>
#map1 = affine_map<(d0, d1) -> (0, 0)>
#map2 = affine_map<(d0, d1) -> (0, 0, 0)>
module attributes {stable_mosaic.version = 14 : i64} {
  func.func @body(%arg0: i32, %arg1: i32, %arg2: memref<32x256x1x4xi32, #tpu.memory_space<hbm>>, %arg3: memref<65024x4096xf32, #tpu.memory_space<hbm>>, %arg4: memref<8192x4x4096xf32, #tpu.memory_space<hbm>>, %arg5: memref<256x1x4xi32, #tpu.memory_space<vmem>>, %arg6: memref<6x1x4x4096xf32, #tpu.memory_space<vmem>>, %arg7: memref<!tpu.dma_semaphore, #tpu.memory_space<semaphore_mem>>, %arg8: memref<!tpu.dma_semaphore, #tpu.memory_space<semaphore_mem>>, %arg9: memref<!tpu.dma_semaphore, #tpu.memory_space<semaphore_mem>>, %arg10: memref<!tpu.dma_semaphore, #tpu.memory_space<semaphore_mem>>, %arg11: memref<!tpu.dma_semaphore, #tpu.memory_space<semaphore_mem>>, %arg12: memref<!tpu.dma_semaphore, #tpu.memory_space<semaphore_mem>>, %arg13: memref<!tpu.dma_semaphore, #tpu.memory_space<semaphore_mem>>, %arg14: memref<!tpu.dma_semaphore, #tpu.memory_space<semaphore_mem>>, %arg15: memref<!tpu.dma_semaphore, #tpu.memory_space<semaphore_mem>>, %arg16: memref<!tpu.dma_semaphore, #tpu.memory_space<semaphore_mem>>, %arg17: memref<!tpu.dma_semaphore, #tpu.memory_space<semaphore_mem>>, %arg18: memref<!tpu.dma_semaphore, #tpu.memory_space<semaphore_mem>>) attributes {dimension_semantics = [#tpu.dimension_semantics<core_parallel>, #tpu.dimension_semantics<subcore_parallel>], iteration_bounds = array<i64: 2, 16>, scalar_prefetch = 0 : i64, scratch_operands = 14 : i64, tpu.core_type = #tpu.core_type<sc_vector_subcore>, window_params = [{transform_indices = #map}, {transform_indices = #map1}, {transform_indices = #map2}]} {
    %mul3A = arith.constant 16 : i32
    %mul3A_0 = arith.muli %arg0, %mul3A : i32
    %add3A = arith.addi %mul3A_0, %arg1 : i32
    %mul3A_1 = arith.constant 256 : i32
    %mul3A_2 = arith.muli %add3A, %mul3A_1 : i32
    "tpu.region"() ({
      %run_scoped3A = tpu.sem_alloc : memref<!tpu.dma_semaphore, #tpu.memory_space<semaphore_mem>>
      %dma_start3A_346 = arith.constant 0 : i32
      %dma_start3A_347 = arith.constant 0 : i32
      %dma_start3A_348 = arith.constant 0 : i32
      %dma_start3A_349 = tpu.memref_slice %arg2[%add3A, %dma_start3A_346, %dma_start3A_347, %dma_start3A_348] : memref<32x256x1x4xi32, #tpu.memory_space<hbm>> -> memref<1x256x1x4xi32, #tpu.memory_space<hbm>>
      %dma_start3A_350 = tpu.memref_squeeze %dma_start3A_349 : memref<1x256x1x4xi32, #tpu.memory_space<hbm>> -> memref<256x1x4xi32, #tpu.memory_space<hbm>>
      %dma_start3A_351 = arith.constant 0 : i32
      %dma_start3A_352 = arith.constant 0 : i32
      %dma_start3A_353 = arith.constant 0 : i32
      %dma_start3A_354 = tpu.memref_slice %arg2[%add3A, %dma_start3A_351, %dma_start3A_352, %dma_start3A_353] : memref<32x256x1x4xi32, #tpu.memory_space<hbm>> -> memref<1x256x1x4xi32, #tpu.memory_space<hbm>>
      %dma_start3A_355 = tpu.memref_squeeze %dma_start3A_354 : memref<1x256x1x4xi32, #tpu.memory_space<hbm>> -> memref<256x1x4xi32, #tpu.memory_space<hbm>>
      tpu.enqueue_dma source(%dma_start3A_355 : memref<256x1x4xi32, #tpu.memory_space<hbm>>) target(%arg5 : memref<256x1x4xi32, #tpu.memory_space<vmem>>) target_semaphore(%run_scoped3A : memref<!tpu.dma_semaphore, #tpu.memory_space<semaphore_mem>>)
      %dma_wait3A_356 = arith.constant 0 : i32
      %dma_wait3A_357 = arith.constant 0 : i32
      %dma_wait3A_358 = arith.constant 0 : i32
      %dma_wait3A_359 = tpu.memref_slice %arg2[%add3A, %dma_wait3A_356, %dma_wait3A_357, %dma_wait3A_358] : memref<32x256x1x4xi32, #tpu.memory_space<hbm>> -> memref<1x256x1x4xi32, #tpu.memory_space<hbm>>
      %dma_wait3A_360 = tpu.memref_squeeze %dma_wait3A_359 : memref<1x256x1x4xi32, #tpu.memory_space<hbm>> -> memref<256x1x4xi32, #tpu.memory_space<hbm>>
      %dma_wait3A_361 = arith.constant 0 : i32
      %dma_wait3A_362 = arith.constant 0 : i32
      %dma_wait3A_363 = arith.constant 0 : i32
      %dma_wait3A_364 = tpu.memref_slice %arg2[%add3A, %dma_wait3A_361, %dma_wait3A_362, %dma_wait3A_363] : memref<32x256x1x4xi32, #tpu.memory_space<hbm>> -> memref<1x256x1x4xi32, #tpu.memory_space<hbm>>
      %dma_wait3A_365 = tpu.memref_squeeze %dma_wait3A_364 : memref<1x256x1x4xi32, #tpu.memory_space<hbm>> -> memref<256x1x4xi32, #tpu.memory_space<hbm>>
      tpu.wait_dma2 semaphore(%run_scoped3A : memref<!tpu.dma_semaphore, #tpu.memory_space<semaphore_mem>>) src(%dma_wait3A_365 : memref<256x1x4xi32, #tpu.memory_space<hbm>>) dst(%arg5 : memref<256x1x4xi32, #tpu.memory_space<vmem>>)
      tpu.yield
    }) : () -> ()
    %dma_start3A = arith.constant 0 : i32
    %dma_start3A_3 = arith.constant 0 : i32
    %dma_start3A_4 = arith.constant 0 : i32
    %dma_start3A_5 = arith.constant 0 : i32
    %dma_start3A_6 = arith.constant 0 : i32
    %dma_start3A_7 = arith.constant 0 : i32
    %dma_start3A_8 = tpu.memref_slice %arg6[%dma_start3A_4, %dma_start3A_5, %dma_start3A_6, %dma_start3A_7] : memref<6x1x4x4096xf32, #tpu.memory_space<vmem>> -> memref<1x1x4x4096xf32, #tpu.memory_space<vmem>>
    %dma_start3A_9 = tpu.memref_squeeze %dma_start3A_8 : memref<1x1x4x4096xf32, #tpu.memory_space<vmem>> -> memref<4x4096xf32, #tpu.memory_space<vmem>>
    %dma_start3A_10 = arith.constant 0 : i32
    %dma_start3A_11 = tpu.memref_slice %arg5[%dma_start3A, %dma_start3A_3, %dma_start3A_10] : memref<256x1x4xi32, #tpu.memory_space<vmem>> -> memref<1x1x4xi32, #tpu.memory_space<vmem>>
    %dma_start3A_12 = tpu.memref_squeeze %dma_start3A_11 : memref<1x1x4xi32, #tpu.memory_space<vmem>> -> memref<4xi32, #tpu.memory_space<vmem>>
    %dma_start3A_13 = arith.constant 0 : i32
    %dma_start3A_14 = arith.constant 0 : i32
    %dma_start3A_15 = tpu.memref_slice %arg3[%dma_start3A_13, %dma_start3A_14] : memref<65024x4096xf32, #tpu.memory_space<hbm>> -> memref<65024x4096xf32, #tpu.memory_space<hbm>>
    tpu.enqueue_indirect_dma source(%dma_start3A_15 : memref<65024x4096xf32, #tpu.memory_space<hbm>>) target(%dma_start3A_9 : memref<4x4096xf32, #tpu.memory_space<vmem>>) offsets(%dma_start3A_12 : memref<4xi32, #tpu.memory_space<vmem>>) semaphore(%arg7 : memref<!tpu.dma_semaphore, #tpu.memory_space<semaphore_mem>>)
    %dma_start3A_16 = arith.constant 1 : i32
    %dma_start3A_17 = arith.constant 0 : i32
    %dma_start3A_18 = arith.constant 1 : i32
    %dma_start3A_19 = arith.constant 0 : i32
    %dma_start3A_20 = arith.constant 0 : i32
    %dma_start3A_21 = arith.constant 0 : i32
    %dma_start3A_22 = tpu.memref_slice %arg6[%dma_start3A_18, %dma_start3A_19, %dma_start3A_20, %dma_start3A_21] : memref<6x1x4x4096xf32, #tpu.memory_space<vmem>> -> memref<1x1x4x4096xf32, #tpu.memory_space<vmem>>
    %dma_start3A_23 = tpu.memref_squeeze %dma_start3A_22 : memref<1x1x4x4096xf32, #tpu.memory_space<vmem>> -> memref<4x4096xf32, #tpu.memory_space<vmem>>
    %dma_start3A_24 = arith.constant 0 : i32
    %dma_start3A_25 = tpu.memref_slice %arg5[%dma_start3A_16, %dma_start3A_17, %dma_start3A_24] : memref<256x1x4xi32, #tpu.memory_space<vmem>> -> memref<1x1x4xi32, #tpu.memory_space<vmem>>
    %dma_start3A_26 = tpu.memref_squeeze %dma_start3A_25 : memref<1x1x4xi32, #tpu.memory_space<vmem>> -> memref<4xi32, #tpu.memory_space<vmem>>
    %dma_start3A_27 = arith.constant 0 : i32
    %dma_start3A_28 = arith.constant 0 : i32
    %dma_start3A_29 = tpu.memref_slice %arg3[%dma_start3A_27, %dma_start3A_28] : memref<65024x4096xf32, #tpu.memory_space<hbm>> -> memref<65024x4096xf32, #tpu.memory_space<hbm>>
    tpu.enqueue_indirect_dma source(%dma_start3A_29 : memref<65024x4096xf32, #tpu.memory_space<hbm>>) target(%dma_start3A_23 : memref<4x4096xf32, #tpu.memory_space<vmem>>) offsets(%dma_start3A_26 : memref<4xi32, #tpu.memory_space<vmem>>) semaphore(%arg8 : memref<!tpu.dma_semaphore, #tpu.memory_space<semaphore_mem>>)
    %scan3A = arith.constant 0 : i32
    %scan3A_30 = arith.constant 0 : i32
    %scan3A_31 = arith.constant 42 : i32
    %scan3A_32 = arith.addi %scan3A_30, %scan3A_31 : i32
    %scan3A_33 = arith.constant 1 : i32
    scf.for %scan3A_346 = %scan3A_30 to %scan3A_32 step %scan3A_33  : i32 {
      %mul3A_347 = arith.constant 6 : i32
      %mul3A_348 = arith.muli %scan3A_346, %mul3A_347 : i32
      %add3A_349 = arith.constant 0 : i32
      %add3A_350 = arith.addi %mul3A_348, %add3A_349 : i32
      %dma_wait3A_351 = arith.constant 0 : i32
      %dma_wait3A_352 = arith.constant 0 : i32
      %dma_wait3A_353 = arith.constant 0 : i32
      %dma_wait3A_354 = arith.constant 0 : i32
      %dma_wait3A_355 = arith.constant 0 : i32
      %dma_wait3A_356 = tpu.memref_slice %arg6[%dma_wait3A_352, %dma_wait3A_353, %dma_wait3A_354, %dma_wait3A_355] : memref<6x1x4x4096xf32, #tpu.memory_space<vmem>> -> memref<1x1x4x4096xf32, #tpu.memory_space<vmem>>
      %dma_wait3A_357 = tpu.memref_squeeze %dma_wait3A_356 : memref<1x1x4x4096xf32, #tpu.memory_space<vmem>> -> memref<4x4096xf32, #tpu.memory_space<vmem>>
      %dma_wait3A_358 = arith.constant 0 : i32
      %dma_wait3A_359 = tpu.memref_slice %arg5[%add3A_350, %dma_wait3A_351, %dma_wait3A_358] : memref<256x1x4xi32, #tpu.memory_space<vmem>> -> memref<1x1x4xi32, #tpu.memory_space<vmem>>
      %dma_wait3A_360 = tpu.memref_squeeze %dma_wait3A_359 : memref<1x1x4xi32, #tpu.memory_space<vmem>> -> memref<4xi32, #tpu.memory_space<vmem>>
      %dma_wait3A_361 = arith.constant 0 : i32
      %dma_wait3A_362 = arith.constant 0 : i32
      %dma_wait3A_363 = tpu.memref_slice %arg3[%dma_wait3A_361, %dma_wait3A_362] : memref<65024x4096xf32, #tpu.memory_space<hbm>> -> memref<65024x4096xf32, #tpu.memory_space<hbm>>
      tpu.wait_indirect_dma semaphore(%arg7 : memref<!tpu.dma_semaphore, #tpu.memory_space<semaphore_mem>>) src(%dma_wait3A_363 : memref<65024x4096xf32, #tpu.memory_space<hbm>>) dst(%dma_wait3A_357 : memref<4x4096xf32, #tpu.memory_space<vmem>>)
      %mul3A_364 = arith.constant 1 : i32
      %mul3A_365 = arith.muli %add3A_350, %mul3A_364 : i32
      %add3A_366 = arith.addi %mul3A_2, %mul3A_365 : i32
      %dma_start3A_367 = arith.constant 0 : i32
      %dma_start3A_368 = arith.constant 0 : i32
      %dma_start3A_369 = arith.constant 0 : i32
      %dma_start3A_370 = arith.constant 0 : i32
      %dma_start3A_371 = tpu.memref_slice %arg6[%dma_start3A_367, %dma_start3A_368, %dma_start3A_369, %dma_start3A_370] : memref<6x1x4x4096xf32, #tpu.memory_space<vmem>> -> memref<1x1x4x4096xf32, #tpu.memory_space<vmem>>
      %dma_start3A_372 = tpu.memref_squeeze %dma_start3A_371 : memref<1x1x4x4096xf32, #tpu.memory_space<vmem>> -> memref<1x4x4096xf32, #tpu.memory_space<vmem>>
      %dma_start3A_373 = arith.constant 0 : i32
      %dma_start3A_374 = arith.constant 0 : i32
      %dma_start3A_375 = tpu.memref_slice %arg4[%add3A_366, %dma_start3A_373, %dma_start3A_374] : memref<8192x4x4096xf32, #tpu.memory_space<hbm>> -> memref<1x4x4096xf32, #tpu.memory_space<hbm>>
      %dma_start3A_376 = arith.constant 0 : i32
      %dma_start3A_377 = arith.constant 0 : i32
      %dma_start3A_378 = tpu.memref_slice %arg4[%add3A_366, %dma_start3A_376, %dma_start3A_377] : memref<8192x4x4096xf32, #tpu.memory_space<hbm>> -> memref<1x4x4096xf32, #tpu.memory_space<hbm>>
      %dma_start3A_379 = arith.constant 0 : i32
      %dma_start3A_380 = arith.constant 0 : i32
      %dma_start3A_381 = arith.constant 0 : i32
      %dma_start3A_382 = tpu.memref_slice %arg6[%dma_start3A_367, %dma_start3A_379, %dma_start3A_380, %dma_start3A_381] : memref<6x1x4x4096xf32, #tpu.memory_space<vmem>> -> memref<1x1x4x4096xf32, #tpu.memory_space<vmem>>
      %dma_start3A_383 = tpu.memref_squeeze %dma_start3A_382 : memref<1x1x4x4096xf32, #tpu.memory_space<vmem>> -> memref<1x4x4096xf32, #tpu.memory_space<vmem>>
      tpu.enqueue_dma source(%dma_start3A_383 : memref<1x4x4096xf32, #tpu.memory_space<vmem>>) target(%dma_start3A_378 : memref<1x4x4096xf32, #tpu.memory_space<hbm>>) target_semaphore(%arg13 : memref<!tpu.dma_semaphore, #tpu.memory_space<semaphore_mem>>)
      %ge3A = arith.constant 4 : i32
      %ge3A_384 = arith.cmpi sge, %add3A_350, %ge3A : i32
      %add3A_385 = arith.constant 2 : i32
      %add3A_386 = arith.addi %add3A_350, %add3A_385 : i32
      %lt3A = arith.constant 256 : i32
      %lt3A_387 = arith.cmpi slt, %add3A_386, %lt3A : i32
      %and3A = arith.andi %ge3A_384, %lt3A_387 : i1
      %convert_element_type3A = arith.extui %and3A : i1 to i32
      %cond3A = arith.constant 0 : i32
      %cond3A_388 = arith.cmpi ne, %convert_element_type3A, %cond3A : i32
      scf.if %cond3A_388 {
        %add3A_656 = arith.constant 2 : i32
        %add3A_657 = arith.addi %add3A_350, %add3A_656 : i32
        %sub3A = arith.constant 6 : i32
        %sub3A_658 = arith.subi %add3A_657, %sub3A : i32
        %mul3A_659 = arith.constant 1 : i32
        %mul3A_660 = arith.muli %sub3A_658, %mul3A_659 : i32
        %add3A_661 = arith.addi %mul3A_2, %mul3A_660 : i32
        %dma_wait3A_662 = arith.constant 2 : i32
        %dma_wait3A_663 = arith.constant 0 : i32
        %dma_wait3A_664 = arith.constant 0 : i32
        %dma_wait3A_665 = arith.constant 0 : i32
        %dma_wait3A_666 = tpu.memref_slice %arg6[%dma_wait3A_662, %dma_wait3A_663, %dma_wait3A_664, %dma_wait3A_665] : memref<6x1x4x4096xf32, #tpu.memory_space<vmem>> -> memref<1x1x4x4096xf32, #tpu.memory_space<vmem>>
        %dma_wait3A_667 = tpu.memref_squeeze %dma_wait3A_666 : memref<1x1x4x4096xf32, #tpu.memory_space<vmem>> -> memref<1x4x4096xf32, #tpu.memory_space<vmem>>
        %dma_wait3A_668 = arith.constant 0 : i32
        %dma_wait3A_669 = arith.constant 0 : i32
        %dma_wait3A_670 = tpu.memref_slice %arg4[%add3A_661, %dma_wait3A_668, %dma_wait3A_669] : memref<8192x4x4096xf32, #tpu.memory_space<hbm>> -> memref<1x4x4096xf32, #tpu.memory_space<hbm>>
        %dma_wait3A_671 = arith.constant 0 : i32
        %dma_wait3A_672 = arith.constant 0 : i32
        %dma_wait3A_673 = tpu.memref_slice %arg4[%add3A_661, %dma_wait3A_671, %dma_wait3A_672] : memref<8192x4x4096xf32, #tpu.memory_space<hbm>> -> memref<1x4x4096xf32, #tpu.memory_space<hbm>>
        %dma_wait3A_674 = arith.constant 0 : i32
        %dma_wait3A_675 = arith.constant 0 : i32
        %dma_wait3A_676 = arith.constant 0 : i32
        %dma_wait3A_677 = tpu.memref_slice %arg6[%dma_wait3A_662, %dma_wait3A_674, %dma_wait3A_675, %dma_wait3A_676] : memref<6x1x4x4096xf32, #tpu.memory_space<vmem>> -> memref<1x1x4x4096xf32, #tpu.memory_space<vmem>>
        %dma_wait3A_678 = tpu.memref_squeeze %dma_wait3A_677 : memref<1x1x4x4096xf32, #tpu.memory_space<vmem>> -> memref<1x4x4096xf32, #tpu.memory_space<vmem>>
        tpu.wait_dma2 semaphore(%arg15 : memref<!tpu.dma_semaphore, #tpu.memory_space<semaphore_mem>>) src(%dma_wait3A_678 : memref<1x4x4096xf32, #tpu.memory_space<vmem>>) dst(%dma_wait3A_673 : memref<1x4x4096xf32, #tpu.memory_space<hbm>>)
      } else {
      }
      %add3A_389 = arith.constant 2 : i32
      %add3A_390 = arith.addi %add3A_350, %add3A_389 : i32
      %lt3A_391 = arith.constant 256 : i32
      %lt3A_392 = arith.cmpi slt, %add3A_390, %lt3A_391 : i32
      %convert_element_type3A_393 = arith.extui %lt3A_392 : i1 to i32
      %cond3A_394 = arith.constant 0 : i32
      %cond3A_395 = arith.cmpi ne, %convert_element_type3A_393, %cond3A_394 : i32
      scf.if %cond3A_395 {
        %add3A_656 = arith.constant 2 : i32
        %add3A_657 = arith.addi %add3A_350, %add3A_656 : i32
        %dma_start3A_658 = arith.constant 0 : i32
        %dma_start3A_659 = arith.constant 2 : i32
        %dma_start3A_660 = arith.constant 0 : i32
        %dma_start3A_661 = arith.constant 0 : i32
        %dma_start3A_662 = arith.constant 0 : i32
        %dma_start3A_663 = tpu.memref_slice %arg6[%dma_start3A_659, %dma_start3A_660, %dma_start3A_661, %dma_start3A_662] : memref<6x1x4x4096xf32, #tpu.memory_space<vmem>> -> memref<1x1x4x4096xf32, #tpu.memory_space<vmem>>
        %dma_start3A_664 = tpu.memref_squeeze %dma_start3A_663 : memref<1x1x4x4096xf32, #tpu.memory_space<vmem>> -> memref<4x4096xf32, #tpu.memory_space<vmem>>
        %dma_start3A_665 = arith.constant 0 : i32
        %dma_start3A_666 = tpu.memref_slice %arg5[%add3A_657, %dma_start3A_658, %dma_start3A_665] : memref<256x1x4xi32, #tpu.memory_space<vmem>> -> memref<1x1x4xi32, #tpu.memory_space<vmem>>
        %dma_start3A_667 = tpu.memref_squeeze %dma_start3A_666 : memref<1x1x4xi32, #tpu.memory_space<vmem>> -> memref<4xi32, #tpu.memory_space<vmem>>
        %dma_start3A_668 = arith.constant 0 : i32
        %dma_start3A_669 = arith.constant 0 : i32
        %dma_start3A_670 = tpu.memref_slice %arg3[%dma_start3A_668, %dma_start3A_669] : memref<65024x4096xf32, #tpu.memory_space<hbm>> -> memref<65024x4096xf32, #tpu.memory_space<hbm>>
        tpu.enqueue_indirect_dma source(%dma_start3A_670 : memref<65024x4096xf32, #tpu.memory_space<hbm>>) target(%dma_start3A_664 : memref<4x4096xf32, #tpu.memory_space<vmem>>) offsets(%dma_start3A_667 : memref<4xi32, #tpu.memory_space<vmem>>) semaphore(%arg9 : memref<!tpu.dma_semaphore, #tpu.memory_space<semaphore_mem>>)
      } else {
      }
      %add3A_396 = arith.constant 1 : i32
      %add3A_397 = arith.addi %mul3A_348, %add3A_396 : i32
      %dma_wait3A_398 = arith.constant 0 : i32
      %dma_wait3A_399 = arith.constant 1 : i32
      %dma_wait3A_400 = arith.constant 0 : i32
      %dma_wait3A_401 = arith.constant 0 : i32
      %dma_wait3A_402 = arith.constant 0 : i32
      %dma_wait3A_403 = tpu.memref_slice %arg6[%dma_wait3A_399, %dma_wait3A_400, %dma_wait3A_401, %dma_wait3A_402] : memref<6x1x4x4096xf32, #tpu.memory_space<vmem>> -> memref<1x1x4x4096xf32, #tpu.memory_space<vmem>>
      %dma_wait3A_404 = tpu.memref_squeeze %dma_wait3A_403 : memref<1x1x4x4096xf32, #tpu.memory_space<vmem>> -> memref<4x4096xf32, #tpu.memory_space<vmem>>
      %dma_wait3A_405 = arith.constant 0 : i32
      %dma_wait3A_406 = tpu.memref_slice %arg5[%add3A_397, %dma_wait3A_398, %dma_wait3A_405] : memref<256x1x4xi32, #tpu.memory_space<vmem>> -> memref<1x1x4xi32, #tpu.memory_space<vmem>>
      %dma_wait3A_407 = tpu.memref_squeeze %dma_wait3A_406 : memref<1x1x4xi32, #tpu.memory_space<vmem>> -> memref<4xi32, #tpu.memory_space<vmem>>
      %dma_wait3A_408 = arith.constant 0 : i32
      %dma_wait3A_409 = arith.constant 0 : i32
      %dma_wait3A_410 = tpu.memref_slice %arg3[%dma_wait3A_408, %dma_wait3A_409] : memref<65024x4096xf32, #tpu.memory_space<hbm>> -> memref<65024x4096xf32, #tpu.memory_space<hbm>>
      tpu.wait_indirect_dma semaphore(%arg8 : memref<!tpu.dma_semaphore, #tpu.memory_space<semaphore_mem>>) src(%dma_wait3A_410 : memref<65024x4096xf32, #tpu.memory_space<hbm>>) dst(%dma_wait3A_404 : memref<4x4096xf32, #tpu.memory_space<vmem>>)
      %mul3A_411 = arith.constant 1 : i32
      %mul3A_412 = arith.muli %add3A_397, %mul3A_411 : i32
      %add3A_413 = arith.addi %mul3A_2, %mul3A_412 : i32
      %dma_start3A_414 = arith.constant 1 : i32
      %dma_start3A_415 = arith.constant 0 : i32
      %dma_start3A_416 = arith.constant 0 : i32
      %dma_start3A_417 = arith.constant 0 : i32
      %dma_start3A_418 = tpu.memref_slice %arg6[%dma_start3A_414, %dma_start3A_415, %dma_start3A_416, %dma_start3A_417] : memref<6x1x4x4096xf32, #tpu.memory_space<vmem>> -> memref<1x1x4x4096xf32, #tpu.memory_space<vmem>>
      %dma_start3A_419 = tpu.memref_squeeze %dma_start3A_418 : memref<1x1x4x4096xf32, #tpu.memory_space<vmem>> -> memref<1x4x4096xf32, #tpu.memory_space<vmem>>
      %dma_start3A_420 = arith.constant 0 : i32
      %dma_start3A_421 = arith.constant 0 : i32
      %dma_start3A_422 = tpu.memref_slice %arg4[%add3A_413, %dma_start3A_420, %dma_start3A_421] : memref<8192x4x4096xf32, #tpu.memory_space<hbm>> -> memref<1x4x4096xf32, #tpu.memory_space<hbm>>
      %dma_start3A_423 = arith.constant 0 : i32
      %dma_start3A_424 = arith.constant 0 : i32
      %dma_start3A_425 = tpu.memref_slice %arg4[%add3A_413, %dma_start3A_423, %dma_start3A_424] : memref<8192x4x4096xf32, #tpu.memory_space<hbm>> -> memref<1x4x4096xf32, #tpu.memory_space<hbm>>
      %dma_start3A_426 = arith.constant 0 : i32
      %dma_start3A_427 = arith.constant 0 : i32
      %dma_start3A_428 = arith.constant 0 : i32
      %dma_start3A_429 = tpu.memref_slice %arg6[%dma_start3A_414, %dma_start3A_426, %dma_start3A_427, %dma_start3A_428] : memref<6x1x4x4096xf32, #tpu.memory_space<vmem>> -> memref<1x1x4x4096xf32, #tpu.memory_space<vmem>>
      %dma_start3A_430 = tpu.memref_squeeze %dma_start3A_429 : memref<1x1x4x4096xf32, #tpu.memory_space<vmem>> -> memref<1x4x4096xf32, #tpu.memory_space<vmem>>
      tpu.enqueue_dma source(%dma_start3A_430 : memref<1x4x4096xf32, #tpu.memory_space<vmem>>) target(%dma_start3A_425 : memref<1x4x4096xf32, #tpu.memory_space<hbm>>) target_semaphore(%arg14 : memref<!tpu.dma_semaphore, #tpu.memory_space<semaphore_mem>>)
      %ge3A_431 = arith.constant 4 : i32
      %ge3A_432 = arith.cmpi sge, %add3A_397, %ge3A_431 : i32
      %add3A_433 = arith.constant 2 : i32
      %add3A_434 = arith.addi %add3A_397, %add3A_433 : i32
      %lt3A_435 = arith.constant 256 : i32
      %lt3A_436 = arith.cmpi slt, %add3A_434, %lt3A_435 : i32
      %and3A_437 = arith.andi %ge3A_432, %lt3A_436 : i1
      %convert_element_type3A_438 = arith.extui %and3A_437 : i1 to i32
      %cond3A_439 = arith.constant 0 : i32
      %cond3A_440 = arith.cmpi ne, %convert_element_type3A_438, %cond3A_439 : i32
      scf.if %cond3A_440 {
        %add3A_656 = arith.constant 2 : i32
        %add3A_657 = arith.addi %add3A_397, %add3A_656 : i32
        %sub3A = arith.constant 6 : i32
        %sub3A_658 = arith.subi %add3A_657, %sub3A : i32
        %mul3A_659 = arith.constant 1 : i32
        %mul3A_660 = arith.muli %sub3A_658, %mul3A_659 : i32
        %add3A_661 = arith.addi %mul3A_2, %mul3A_660 : i32
        %dma_wait3A_662 = arith.constant 3 : i32
        %dma_wait3A_663 = arith.constant 0 : i32
        %dma_wait3A_664 = arith.constant 0 : i32
        %dma_wait3A_665 = arith.constant 0 : i32
        %dma_wait3A_666 = tpu.memref_slice %arg6[%dma_wait3A_662, %dma_wait3A_663, %dma_wait3A_664, %dma_wait3A_665] : memref<6x1x4x4096xf32, #tpu.memory_space<vmem>> -> memref<1x1x4x4096xf32, #tpu.memory_space<vmem>>
        %dma_wait3A_667 = tpu.memref_squeeze %dma_wait3A_666 : memref<1x1x4x4096xf32, #tpu.memory_space<vmem>> -> memref<1x4x4096xf32, #tpu.memory_space<vmem>>
        %dma_wait3A_668 = arith.constant 0 : i32
        %dma_wait3A_669 = arith.constant 0 : i32
        %dma_wait3A_670 = tpu.memref_slice %arg4[%add3A_661, %dma_wait3A_668, %dma_wait3A_669] : memref<8192x4x4096xf32, #tpu.memory_space<hbm>> -> memref<1x4x4096xf32, #tpu.memory_space<hbm>>
        %dma_wait3A_671 = arith.constant 0 : i32
        %dma_wait3A_672 = arith.constant 0 : i32
        %dma_wait3A_673 = tpu.memref_slice %arg4[%add3A_661, %dma_wait3A_671, %dma_wait3A_672] : memref<8192x4x4096xf32, #tpu.memory_space<hbm>> -> memref<1x4x4096xf32, #tpu.memory_space<hbm>>
        %dma_wait3A_674 = arith.constant 0 : i32
        %dma_wait3A_675 = arith.constant 0 : i32
        %dma_wait3A_676 = arith.constant 0 : i32
        %dma_wait3A_677 = tpu.memref_slice %arg6[%dma_wait3A_662, %dma_wait3A_674, %dma_wait3A_675, %dma_wait3A_676] : memref<6x1x4x4096xf32, #tpu.memory_space<vmem>> -> memref<1x1x4x4096xf32, #tpu.memory_space<vmem>>
        %dma_wait3A_678 = tpu.memref_squeeze %dma_wait3A_677 : memref<1x1x4x4096xf32, #tpu.memory_space<vmem>> -> memref<1x4x4096xf32, #tpu.memory_space<vmem>>
        tpu.wait_dma2 semaphore(%arg16 : memref<!tpu.dma_semaphore, #tpu.memory_space<semaphore_mem>>) src(%dma_wait3A_678 : memref<1x4x4096xf32, #tpu.memory_space<vmem>>) dst(%dma_wait3A_673 : memref<1x4x4096xf32, #tpu.memory_space<hbm>>)
      } else {
      }
      %add3A_441 = arith.constant 2 : i32
      %add3A_442 = arith.addi %add3A_397, %add3A_441 : i32
      %lt3A_443 = arith.constant 256 : i32
      %lt3A_444 = arith.cmpi slt, %add3A_442, %lt3A_443 : i32
      %convert_element_type3A_445 = arith.extui %lt3A_444 : i1 to i32
      %cond3A_446 = arith.constant 0 : i32
      %cond3A_447 = arith.cmpi ne, %convert_element_type3A_445, %cond3A_446 : i32
      scf.if %cond3A_447 {
        %add3A_656 = arith.constant 2 : i32
        %add3A_657 = arith.addi %add3A_397, %add3A_656 : i32
        %dma_start3A_658 = arith.constant 0 : i32
        %dma_start3A_659 = arith.constant 3 : i32
        %dma_start3A_660 = arith.constant 0 : i32
        %dma_start3A_661 = arith.constant 0 : i32
        %dma_start3A_662 = arith.constant 0 : i32
        %dma_start3A_663 = tpu.memref_slice %arg6[%dma_start3A_659, %dma_start3A_660, %dma_start3A_661, %dma_start3A_662] : memref<6x1x4x4096xf32, #tpu.memory_space<vmem>> -> memref<1x1x4x4096xf32, #tpu.memory_space<vmem>>
        %dma_start3A_664 = tpu.memref_squeeze %dma_start3A_663 : memref<1x1x4x4096xf32, #tpu.memory_space<vmem>> -> memref<4x4096xf32, #tpu.memory_space<vmem>>
        %dma_start3A_665 = arith.constant 0 : i32
        %dma_start3A_666 = tpu.memref_slice %arg5[%add3A_657, %dma_start3A_658, %dma_start3A_665] : memref<256x1x4xi32, #tpu.memory_space<vmem>> -> memref<1x1x4xi32, #tpu.memory_space<vmem>>
        %dma_start3A_667 = tpu.memref_squeeze %dma_start3A_666 : memref<1x1x4xi32, #tpu.memory_space<vmem>> -> memref<4xi32, #tpu.memory_space<vmem>>
        %dma_start3A_668 = arith.constant 0 : i32
        %dma_start3A_669 = arith.constant 0 : i32
        %dma_start3A_670 = tpu.memref_slice %arg3[%dma_start3A_668, %dma_start3A_669] : memref<65024x4096xf32, #tpu.memory_space<hbm>> -> memref<65024x4096xf32, #tpu.memory_space<hbm>>
        tpu.enqueue_indirect_dma source(%dma_start3A_670 : memref<65024x4096xf32, #tpu.memory_space<hbm>>) target(%dma_start3A_664 : memref<4x4096xf32, #tpu.memory_space<vmem>>) offsets(%dma_start3A_667 : memref<4xi32, #tpu.memory_space<vmem>>) semaphore(%arg10 : memref<!tpu.dma_semaphore, #tpu.memory_space<semaphore_mem>>)
      } else {
      }
      %add3A_448 = arith.constant 2 : i32
      %add3A_449 = arith.addi %mul3A_348, %add3A_448 : i32
      %dma_wait3A_450 = arith.constant 0 : i32
      %dma_wait3A_451 = arith.constant 2 : i32
      %dma_wait3A_452 = arith.constant 0 : i32
      %dma_wait3A_453 = arith.constant 0 : i32
      %dma_wait3A_454 = arith.constant 0 : i32
      %dma_wait3A_455 = tpu.memref_slice %arg6[%dma_wait3A_451, %dma_wait3A_452, %dma_wait3A_453, %dma_wait3A_454] : memref<6x1x4x4096xf32, #tpu.memory_space<vmem>> -> memref<1x1x4x4096xf32, #tpu.memory_space<vmem>>
      %dma_wait3A_456 = tpu.memref_squeeze %dma_wait3A_455 : memref<1x1x4x4096xf32, #tpu.memory_space<vmem>> -> memref<4x4096xf32, #tpu.memory_space<vmem>>
      %dma_wait3A_457 = arith.constant 0 : i32
      %dma_wait3A_458 = tpu.memref_slice %arg5[%add3A_449, %dma_wait3A_450, %dma_wait3A_457] : memref<256x1x4xi32, #tpu.memory_space<vmem>> -> memref<1x1x4xi32, #tpu.memory_space<vmem>>
      %dma_wait3A_459 = tpu.memref_squeeze %dma_wait3A_458 : memref<1x1x4xi32, #tpu.memory_space<vmem>> -> memref<4xi32, #tpu.memory_space<vmem>>
      %dma_wait3A_460 = arith.constant 0 : i32
      %dma_wait3A_461 = arith.constant 0 : i32
      %dma_wait3A_462 = tpu.memref_slice %arg3[%dma_wait3A_460, %dma_wait3A_461] : memref<65024x4096xf32, #tpu.memory_space<hbm>> -> memref<65024x4096xf32, #tpu.memory_space<hbm>>
      tpu.wait_indirect_dma semaphore(%arg9 : memref<!tpu.dma_semaphore, #tpu.memory_space<semaphore_mem>>) src(%dma_wait3A_462 : memref<65024x4096xf32, #tpu.memory_space<hbm>>) dst(%dma_wait3A_456 : memref<4x4096xf32, #tpu.memory_space<vmem>>)
      %mul3A_463 = arith.constant 1 : i32
      %mul3A_464 = arith.muli %add3A_449, %mul3A_463 : i32
      %add3A_465 = arith.addi %mul3A_2, %mul3A_464 : i32
      %dma_start3A_466 = arith.constant 2 : i32
      %dma_start3A_467 = arith.constant 0 : i32
      %dma_start3A_468 = arith.constant 0 : i32
      %dma_start3A_469 = arith.constant 0 : i32
      %dma_start3A_470 = tpu.memref_slice %arg6[%dma_start3A_466, %dma_start3A_467, %dma_start3A_468, %dma_start3A_469] : memref<6x1x4x4096xf32, #tpu.memory_space<vmem>> -> memref<1x1x4x4096xf32, #tpu.memory_space<vmem>>
      %dma_start3A_471 = tpu.memref_squeeze %dma_start3A_470 : memref<1x1x4x4096xf32, #tpu.memory_space<vmem>> -> memref<1x4x4096xf32, #tpu.memory_space<vmem>>
      %dma_start3A_472 = arith.constant 0 : i32
      %dma_start3A_473 = arith.constant 0 : i32
      %dma_start3A_474 = tpu.memref_slice %arg4[%add3A_465, %dma_start3A_472, %dma_start3A_473] : memref<8192x4x4096xf32, #tpu.memory_space<hbm>> -> memref<1x4x4096xf32, #tpu.memory_space<hbm>>
      %dma_start3A_475 = arith.constant 0 : i32
      %dma_start3A_476 = arith.constant 0 : i32
      %dma_start3A_477 = tpu.memref_slice %arg4[%add3A_465, %dma_start3A_475, %dma_start3A_476] : memref<8192x4x4096xf32, #tpu.memory_space<hbm>> -> memref<1x4x4096xf32, #tpu.memory_space<hbm>>
      %dma_start3A_478 = arith.constant 0 : i32
      %dma_start3A_479 = arith.constant 0 : i32
      %dma_start3A_480 = arith.constant 0 : i32
      %dma_start3A_481 = tpu.memref_slice %arg6[%dma_start3A_466, %dma_start3A_478, %dma_start3A_479, %dma_start3A_480] : memref<6x1x4x4096xf32, #tpu.memory_space<vmem>> -> memref<1x1x4x4096xf32, #tpu.memory_space<vmem>>
      %dma_start3A_482 = tpu.memref_squeeze %dma_start3A_481 : memref<1x1x4x4096xf32, #tpu.memory_space<vmem>> -> memref<1x4x4096xf32, #tpu.memory_space<vmem>>
      tpu.enqueue_dma source(%dma_start3A_482 : memref<1x4x4096xf32, #tpu.memory_space<vmem>>) target(%dma_start3A_477 : memref<1x4x4096xf32, #tpu.memory_space<hbm>>) target_semaphore(%arg15 : memref<!tpu.dma_semaphore, #tpu.memory_space<semaphore_mem>>)
      %ge3A_483 = arith.constant 4 : i32
      %ge3A_484 = arith.cmpi sge, %add3A_449, %ge3A_483 : i32
      %add3A_485 = arith.constant 2 : i32
      %add3A_486 = arith.addi %add3A_449, %add3A_485 : i32
      %lt3A_487 = arith.constant 256 : i32
      %lt3A_488 = arith.cmpi slt, %add3A_486, %lt3A_487 : i32
      %and3A_489 = arith.andi %ge3A_484, %lt3A_488 : i1
      %convert_element_type3A_490 = arith.extui %and3A_489 : i1 to i32
      %cond3A_491 = arith.constant 0 : i32
      %cond3A_492 = arith.cmpi ne, %convert_element_type3A_490, %cond3A_491 : i32
      scf.if %cond3A_492 {
        %add3A_656 = arith.constant 2 : i32
        %add3A_657 = arith.addi %add3A_449, %add3A_656 : i32
        %sub3A = arith.constant 6 : i32
        %sub3A_658 = arith.subi %add3A_657, %sub3A : i32
        %mul3A_659 = arith.constant 1 : i32
        %mul3A_660 = arith.muli %sub3A_658, %mul3A_659 : i32
        %add3A_661 = arith.addi %mul3A_2, %mul3A_660 : i32
        %dma_wait3A_662 = arith.constant 4 : i32
        %dma_wait3A_663 = arith.constant 0 : i32
        %dma_wait3A_664 = arith.constant 0 : i32
        %dma_wait3A_665 = arith.constant 0 : i32
        %dma_wait3A_666 = tpu.memref_slice %arg6[%dma_wait3A_662, %dma_wait3A_663, %dma_wait3A_664, %dma_wait3A_665] : memref<6x1x4x4096xf32, #tpu.memory_space<vmem>> -> memref<1x1x4x4096xf32, #tpu.memory_space<vmem>>
        %dma_wait3A_667 = tpu.memref_squeeze %dma_wait3A_666 : memref<1x1x4x4096xf32, #tpu.memory_space<vmem>> -> memref<1x4x4096xf32, #tpu.memory_space<vmem>>
        %dma_wait3A_668 = arith.constant 0 : i32
        %dma_wait3A_669 = arith.constant 0 : i32
        %dma_wait3A_670 = tpu.memref_slice %arg4[%add3A_661, %dma_wait3A_668, %dma_wait3A_669] : memref<8192x4x4096xf32, #tpu.memory_space<hbm>> -> memref<1x4x4096xf32, #tpu.memory_space<hbm>>
        %dma_wait3A_671 = arith.constant 0 : i32
        %dma_wait3A_672 = arith.constant 0 : i32
        %dma_wait3A_673 = tpu.memref_slice %arg4[%add3A_661, %dma_wait3A_671, %dma_wait3A_672] : memref<8192x4x4096xf32, #tpu.memory_space<hbm>> -> memref<1x4x4096xf32, #tpu.memory_space<hbm>>
        %dma_wait3A_674 = arith.constant 0 : i32
        %dma_wait3A_675 = arith.constant 0 : i32
        %dma_wait3A_676 = arith.constant 0 : i32
        %dma_wait3A_677 = tpu.memref_slice %arg6[%dma_wait3A_662, %dma_wait3A_674, %dma_wait3A_675, %dma_wait3A_676] : memref<6x1x4x4096xf32, #tpu.memory_space<vmem>> -> memref<1x1x4x4096xf32, #tpu.memory_space<vmem>>
        %dma_wait3A_678 = tpu.memref_squeeze %dma_wait3A_677 : memref<1x1x4x4096xf32, #tpu.memory_space<vmem>> -> memref<1x4x4096xf32, #tpu.memory_space<vmem>>
        tpu.wait_dma2 semaphore(%arg17 : memref<!tpu.dma_semaphore, #tpu.memory_space<semaphore_mem>>) src(%dma_wait3A_678 : memref<1x4x4096xf32, #tpu.memory_space<vmem>>) dst(%dma_wait3A_673 : memref<1x4x4096xf32, #tpu.memory_space<hbm>>)
      } else {
      }
      %add3A_493 = arith.constant 2 : i32
      %add3A_494 = arith.addi %add3A_449, %add3A_493 : i32
      %lt3A_495 = arith.constant 256 : i32
      %lt3A_496 = arith.cmpi slt, %add3A_494, %lt3A_495 : i32
      %convert_element_type3A_497 = arith.extui %lt3A_496 : i1 to i32
      %cond3A_498 = arith.constant 0 : i32
      %cond3A_499 = arith.cmpi ne, %convert_element_type3A_497, %cond3A_498 : i32
      scf.if %cond3A_499 {
        %add3A_656 = arith.constant 2 : i32
        %add3A_657 = arith.addi %add3A_449, %add3A_656 : i32
        %dma_start3A_658 = arith.constant 0 : i32
        %dma_start3A_659 = arith.constant 4 : i32
        %dma_start3A_660 = arith.constant 0 : i32
        %dma_start3A_661 = arith.constant 0 : i32
        %dma_start3A_662 = arith.constant 0 : i32
        %dma_start3A_663 = tpu.memref_slice %arg6[%dma_start3A_659, %dma_start3A_660, %dma_start3A_661, %dma_start3A_662] : memref<6x1x4x4096xf32, #tpu.memory_space<vmem>> -> memref<1x1x4x4096xf32, #tpu.memory_space<vmem>>
        %dma_start3A_664 = tpu.memref_squeeze %dma_start3A_663 : memref<1x1x4x4096xf32, #tpu.memory_space<vmem>> -> memref<4x4096xf32, #tpu.memory_space<vmem>>
        %dma_start3A_665 = arith.constant 0 : i32
        %dma_start3A_666 = tpu.memref_slice %arg5[%add3A_657, %dma_start3A_658, %dma_start3A_665] : memref<256x1x4xi32, #tpu.memory_space<vmem>> -> memref<1x1x4xi32, #tpu.memory_space<vmem>>
        %dma_start3A_667 = tpu.memref_squeeze %dma_start3A_666 : memref<1x1x4xi32, #tpu.memory_space<vmem>> -> memref<4xi32, #tpu.memory_space<vmem>>
        %dma_start3A_668 = arith.constant 0 : i32
        %dma_start3A_669 = arith.constant 0 : i32
        %dma_start3A_670 = tpu.memref_slice %arg3[%dma_start3A_668, %dma_start3A_669] : memref<65024x4096xf32, #tpu.memory_space<hbm>> -> memref<65024x4096xf32, #tpu.memory_space<hbm>>
        tpu.enqueue_indirect_dma source(%dma_start3A_670 : memref<65024x4096xf32, #tpu.memory_space<hbm>>) target(%dma_start3A_664 : memref<4x4096xf32, #tpu.memory_space<vmem>>) offsets(%dma_start3A_667 : memref<4xi32, #tpu.memory_space<vmem>>) semaphore(%arg11 : memref<!tpu.dma_semaphore, #tpu.memory_space<semaphore_mem>>)
      } else {
      }
      %add3A_500 = arith.constant 3 : i32
      %add3A_501 = arith.addi %mul3A_348, %add3A_500 : i32
      %dma_wait3A_502 = arith.constant 0 : i32
      %dma_wait3A_503 = arith.constant 3 : i32
      %dma_wait3A_504 = arith.constant 0 : i32
      %dma_wait3A_505 = arith.constant 0 : i32
      %dma_wait3A_506 = arith.constant 0 : i32
      %dma_wait3A_507 = tpu.memref_slice %arg6[%dma_wait3A_503, %dma_wait3A_504, %dma_wait3A_505, %dma_wait3A_506] : memref<6x1x4x4096xf32, #tpu.memory_space<vmem>> -> memref<1x1x4x4096xf32, #tpu.memory_space<vmem>>
      %dma_wait3A_508 = tpu.memref_squeeze %dma_wait3A_507 : memref<1x1x4x4096xf32, #tpu.memory_space<vmem>> -> memref<4x4096xf32, #tpu.memory_space<vmem>>
      %dma_wait3A_509 = arith.constant 0 : i32
      %dma_wait3A_510 = tpu.memref_slice %arg5[%add3A_501, %dma_wait3A_502, %dma_wait3A_509] : memref<256x1x4xi32, #tpu.memory_space<vmem>> -> memref<1x1x4xi32, #tpu.memory_space<vmem>>
      %dma_wait3A_511 = tpu.memref_squeeze %dma_wait3A_510 : memref<1x1x4xi32, #tpu.memory_space<vmem>> -> memref<4xi32, #tpu.memory_space<vmem>>
      %dma_wait3A_512 = arith.constant 0 : i32
      %dma_wait3A_513 = arith.constant 0 : i32
      %dma_wait3A_514 = tpu.memref_slice %arg3[%dma_wait3A_512, %dma_wait3A_513] : memref<65024x4096xf32, #tpu.memory_space<hbm>> -> memref<65024x4096xf32, #tpu.memory_space<hbm>>
      tpu.wait_indirect_dma semaphore(%arg10 : memref<!tpu.dma_semaphore, #tpu.memory_space<semaphore_mem>>) src(%dma_wait3A_514 : memref<65024x4096xf32, #tpu.memory_space<hbm>>) dst(%dma_wait3A_508 : memref<4x4096xf32, #tpu.memory_space<vmem>>)
      %mul3A_515 = arith.constant 1 : i32
      %mul3A_516 = arith.muli %add3A_501, %mul3A_515 : i32
      %add3A_517 = arith.addi %mul3A_2, %mul3A_516 : i32
      %dma_start3A_518 = arith.constant 3 : i32
      %dma_start3A_519 = arith.constant 0 : i32
      %dma_start3A_520 = arith.constant 0 : i32
      %dma_start3A_521 = arith.constant 0 : i32
      %dma_start3A_522 = tpu.memref_slice %arg6[%dma_start3A_518, %dma_start3A_519, %dma_start3A_520, %dma_start3A_521] : memref<6x1x4x4096xf32, #tpu.memory_space<vmem>> -> memref<1x1x4x4096xf32, #tpu.memory_space<vmem>>
      %dma_start3A_523 = tpu.memref_squeeze %dma_start3A_522 : memref<1x1x4x4096xf32, #tpu.memory_space<vmem>> -> memref<1x4x4096xf32, #tpu.memory_space<vmem>>
      %dma_start3A_524 = arith.constant 0 : i32
      %dma_start3A_525 = arith.constant 0 : i32
      %dma_start3A_526 = tpu.memref_slice %arg4[%add3A_517, %dma_start3A_524, %dma_start3A_525] : memref<8192x4x4096xf32, #tpu.memory_space<hbm>> -> memref<1x4x4096xf32, #tpu.memory_space<hbm>>
      %dma_start3A_527 = arith.constant 0 : i32
      %dma_start3A_528 = arith.constant 0 : i32
      %dma_start3A_529 = tpu.memref_slice %arg4[%add3A_517, %dma_start3A_527, %dma_start3A_528] : memref<8192x4x4096xf32, #tpu.memory_space<hbm>> -> memref<1x4x4096xf32, #tpu.memory_space<hbm>>
      %dma_start3A_530 = arith.constant 0 : i32
      %dma_start3A_531 = arith.constant 0 : i32
      %dma_start3A_532 = arith.constant 0 : i32
      %dma_start3A_533 = tpu.memref_slice %arg6[%dma_start3A_518, %dma_start3A_530, %dma_start3A_531, %dma_start3A_532] : memref<6x1x4x4096xf32, #tpu.memory_space<vmem>> -> memref<1x1x4x4096xf32, #tpu.memory_space<vmem>>
      %dma_start3A_534 = tpu.memref_squeeze %dma_start3A_533 : memref<1x1x4x4096xf32, #tpu.memory_space<vmem>> -> memref<1x4x4096xf32, #tpu.memory_space<vmem>>
      tpu.enqueue_dma source(%dma_start3A_534 : memref<1x4x4096xf32, #tpu.memory_space<vmem>>) target(%dma_start3A_529 : memref<1x4x4096xf32, #tpu.memory_space<hbm>>) target_semaphore(%arg16 : memref<!tpu.dma_semaphore, #tpu.memory_space<semaphore_mem>>)
      %ge3A_535 = arith.constant 4 : i32
      %ge3A_536 = arith.cmpi sge, %add3A_501, %ge3A_535 : i32
      %add3A_537 = arith.constant 2 : i32
      %add3A_538 = arith.addi %add3A_501, %add3A_537 : i32
      %lt3A_539 = arith.constant 256 : i32
      %lt3A_540 = arith.cmpi slt, %add3A_538, %lt3A_539 : i32
      %and3A_541 = arith.andi %ge3A_536, %lt3A_540 : i1
      %convert_element_type3A_542 = arith.extui %and3A_541 : i1 to i32
      %cond3A_543 = arith.constant 0 : i32
      %cond3A_544 = arith.cmpi ne, %convert_element_type3A_542, %cond3A_543 : i32
      scf.if %cond3A_544 {
        %add3A_656 = arith.constant 2 : i32
        %add3A_657 = arith.addi %add3A_501, %add3A_656 : i32
        %sub3A = arith.constant 6 : i32
        %sub3A_658 = arith.subi %add3A_657, %sub3A : i32
        %mul3A_659 = arith.constant 1 : i32
        %mul3A_660 = arith.muli %sub3A_658, %mul3A_659 : i32
        %add3A_661 = arith.addi %mul3A_2, %mul3A_660 : i32
        %dma_wait3A_662 = arith.constant 5 : i32
        %dma_wait3A_663 = arith.constant 0 : i32
        %dma_wait3A_664 = arith.constant 0 : i32
        %dma_wait3A_665 = arith.constant 0 : i32
        %dma_wait3A_666 = tpu.memref_slice %arg6[%dma_wait3A_662, %dma_wait3A_663, %dma_wait3A_664, %dma_wait3A_665] : memref<6x1x4x4096xf32, #tpu.memory_space<vmem>> -> memref<1x1x4x4096xf32, #tpu.memory_space<vmem>>
        %dma_wait3A_667 = tpu.memref_squeeze %dma_wait3A_666 : memref<1x1x4x4096xf32, #tpu.memory_space<vmem>> -> memref<1x4x4096xf32, #tpu.memory_space<vmem>>
        %dma_wait3A_668 = arith.constant 0 : i32
        %dma_wait3A_669 = arith.constant 0 : i32
        %dma_wait3A_670 = tpu.memref_slice %arg4[%add3A_661, %dma_wait3A_668, %dma_wait3A_669] : memref<8192x4x4096xf32, #tpu.memory_space<hbm>> -> memref<1x4x4096xf32, #tpu.memory_space<hbm>>
        %dma_wait3A_671 = arith.constant 0 : i32
        %dma_wait3A_672 = arith.constant 0 : i32
        %dma_wait3A_673 = tpu.memref_slice %arg4[%add3A_661, %dma_wait3A_671, %dma_wait3A_672] : memref<8192x4x4096xf32, #tpu.memory_space<hbm>> -> memref<1x4x4096xf32, #tpu.memory_space<hbm>>
        %dma_wait3A_674 = arith.constant 0 : i32
        %dma_wait3A_675 = arith.constant 0 : i32
        %dma_wait3A_676 = arith.constant 0 : i32
        %dma_wait3A_677 = tpu.memref_slice %arg6[%dma_wait3A_662, %dma_wait3A_674, %dma_wait3A_675, %dma_wait3A_676] : memref<6x1x4x4096xf32, #tpu.memory_space<vmem>> -> memref<1x1x4x4096xf32, #tpu.memory_space<vmem>>
        %dma_wait3A_678 = tpu.memref_squeeze %dma_wait3A_677 : memref<1x1x4x4096xf32, #tpu.memory_space<vmem>> -> memref<1x4x4096xf32, #tpu.memory_space<vmem>>
        tpu.wait_dma2 semaphore(%arg18 : memref<!tpu.dma_semaphore, #tpu.memory_space<semaphore_mem>>) src(%dma_wait3A_678 : memref<1x4x4096xf32, #tpu.memory_space<vmem>>) dst(%dma_wait3A_673 : memref<1x4x4096xf32, #tpu.memory_space<hbm>>)
      } else {
      }
      %add3A_545 = arith.constant 2 : i32
      %add3A_546 = arith.addi %add3A_501, %add3A_545 : i32
      %lt3A_547 = arith.constant 256 : i32
      %lt3A_548 = arith.cmpi slt, %add3A_546, %lt3A_547 : i32
      %convert_element_type3A_549 = arith.extui %lt3A_548 : i1 to i32
      %cond3A_550 = arith.constant 0 : i32
      %cond3A_551 = arith.cmpi ne, %convert_element_type3A_549, %cond3A_550 : i32
      scf.if %cond3A_551 {
        %add3A_656 = arith.constant 2 : i32
        %add3A_657 = arith.addi %add3A_501, %add3A_656 : i32
        %dma_start3A_658 = arith.constant 0 : i32
        %dma_start3A_659 = arith.constant 5 : i32
        %dma_start3A_660 = arith.constant 0 : i32
        %dma_start3A_661 = arith.constant 0 : i32
        %dma_start3A_662 = arith.constant 0 : i32
        %dma_start3A_663 = tpu.memref_slice %arg6[%dma_start3A_659, %dma_start3A_660, %dma_start3A_661, %dma_start3A_662] : memref<6x1x4x4096xf32, #tpu.memory_space<vmem>> -> memref<1x1x4x4096xf32, #tpu.memory_space<vmem>>
        %dma_start3A_664 = tpu.memref_squeeze %dma_start3A_663 : memref<1x1x4x4096xf32, #tpu.memory_space<vmem>> -> memref<4x4096xf32, #tpu.memory_space<vmem>>
        %dma_start3A_665 = arith.constant 0 : i32
        %dma_start3A_666 = tpu.memref_slice %arg5[%add3A_657, %dma_start3A_658, %dma_start3A_665] : memref<256x1x4xi32, #tpu.memory_space<vmem>> -> memref<1x1x4xi32, #tpu.memory_space<vmem>>
        %dma_start3A_667 = tpu.memref_squeeze %dma_start3A_666 : memref<1x1x4xi32, #tpu.memory_space<vmem>> -> memref<4xi32, #tpu.memory_space<vmem>>
        %dma_start3A_668 = arith.constant 0 : i32
        %dma_start3A_669 = arith.constant 0 : i32
        %dma_start3A_670 = tpu.memref_slice %arg3[%dma_start3A_668, %dma_start3A_669] : memref<65024x4096xf32, #tpu.memory_space<hbm>> -> memref<65024x4096xf32, #tpu.memory_space<hbm>>
        tpu.enqueue_indirect_dma source(%dma_start3A_670 : memref<65024x4096xf32, #tpu.memory_space<hbm>>) target(%dma_start3A_664 : memref<4x4096xf32, #tpu.memory_space<vmem>>) offsets(%dma_start3A_667 : memref<4xi32, #tpu.memory_space<vmem>>) semaphore(%arg12 : memref<!tpu.dma_semaphore, #tpu.memory_space<semaphore_mem>>)
      } else {
      }
      %add3A_552 = arith.constant 4 : i32
      %add3A_553 = arith.addi %mul3A_348, %add3A_552 : i32
      %dma_wait3A_554 = arith.constant 0 : i32
      %dma_wait3A_555 = arith.constant 4 : i32
      %dma_wait3A_556 = arith.constant 0 : i32
      %dma_wait3A_557 = arith.constant 0 : i32
      %dma_wait3A_558 = arith.constant 0 : i32
      %dma_wait3A_559 = tpu.memref_slice %arg6[%dma_wait3A_555, %dma_wait3A_556, %dma_wait3A_557, %dma_wait3A_558] : memref<6x1x4x4096xf32, #tpu.memory_space<vmem>> -> memref<1x1x4x4096xf32, #tpu.memory_space<vmem>>
      %dma_wait3A_560 = tpu.memref_squeeze %dma_wait3A_559 : memref<1x1x4x4096xf32, #tpu.memory_space<vmem>> -> memref<4x4096xf32, #tpu.memory_space<vmem>>
      %dma_wait3A_561 = arith.constant 0 : i32
      %dma_wait3A_562 = tpu.memref_slice %arg5[%add3A_553, %dma_wait3A_554, %dma_wait3A_561] : memref<256x1x4xi32, #tpu.memory_space<vmem>> -> memref<1x1x4xi32, #tpu.memory_space<vmem>>
      %dma_wait3A_563 = tpu.memref_squeeze %dma_wait3A_562 : memref<1x1x4xi32, #tpu.memory_space<vmem>> -> memref<4xi32, #tpu.memory_space<vmem>>
      %dma_wait3A_564 = arith.constant 0 : i32
      %dma_wait3A_565 = arith.constant 0 : i32
      %dma_wait3A_566 = tpu.memref_slice %arg3[%dma_wait3A_564, %dma_wait3A_565] : memref<65024x4096xf32, #tpu.memory_space<hbm>> -> memref<65024x4096xf32, #tpu.memory_space<hbm>>
      tpu.wait_indirect_dma semaphore(%arg11 : memref<!tpu.dma_semaphore, #tpu.memory_space<semaphore_mem>>) src(%dma_wait3A_566 : memref<65024x4096xf32, #tpu.memory_space<hbm>>) dst(%dma_wait3A_560 : memref<4x4096xf32, #tpu.memory_space<vmem>>)
      %mul3A_567 = arith.constant 1 : i32
      %mul3A_568 = arith.muli %add3A_553, %mul3A_567 : i32
      %add3A_569 = arith.addi %mul3A_2, %mul3A_568 : i32
      %dma_start3A_570 = arith.constant 4 : i32
      %dma_start3A_571 = arith.constant 0 : i32
      %dma_start3A_572 = arith.constant 0 : i32
      %dma_start3A_573 = arith.constant 0 : i32
      %dma_start3A_574 = tpu.memref_slice %arg6[%dma_start3A_570, %dma_start3A_571, %dma_start3A_572, %dma_start3A_573] : memref<6x1x4x4096xf32, #tpu.memory_space<vmem>> -> memref<1x1x4x4096xf32, #tpu.memory_space<vmem>>
      %dma_start3A_575 = tpu.memref_squeeze %dma_start3A_574 : memref<1x1x4x4096xf32, #tpu.memory_space<vmem>> -> memref<1x4x4096xf32, #tpu.memory_space<vmem>>
      %dma_start3A_576 = arith.constant 0 : i32
      %dma_start3A_577 = arith.constant 0 : i32
      %dma_start3A_578 = tpu.memref_slice %arg4[%add3A_569, %dma_start3A_576, %dma_start3A_577] : memref<8192x4x4096xf32, #tpu.memory_space<hbm>> -> memref<1x4x4096xf32, #tpu.memory_space<hbm>>
      %dma_start3A_579 = arith.constant 0 : i32
      %dma_start3A_580 = arith.constant 0 : i32
      %dma_start3A_581 = tpu.memref_slice %arg4[%add3A_569, %dma_start3A_579, %dma_start3A_580] : memref<8192x4x4096xf32, #tpu.memory_space<hbm>> -> memref<1x4x4096xf32, #tpu.memory_space<hbm>>
      %dma_start3A_582 = arith.constant 0 : i32
      %dma_start3A_583 = arith.constant 0 : i32
      %dma_start3A_584 = arith.constant 0 : i32
      %dma_start3A_585 = tpu.memref_slice %arg6[%dma_start3A_570, %dma_start3A_582, %dma_start3A_583, %dma_start3A_584] : memref<6x1x4x4096xf32, #tpu.memory_space<vmem>> -> memref<1x1x4x4096xf32, #tpu.memory_space<vmem>>
      %dma_start3A_586 = tpu.memref_squeeze %dma_start3A_585 : memref<1x1x4x4096xf32, #tpu.memory_space<vmem>> -> memref<1x4x4096xf32, #tpu.memory_space<vmem>>
      tpu.enqueue_dma source(%dma_start3A_586 : memref<1x4x4096xf32, #tpu.memory_space<vmem>>) target(%dma_start3A_581 : memref<1x4x4096xf32, #tpu.memory_space<hbm>>) target_semaphore(%arg17 : memref<!tpu.dma_semaphore, #tpu.memory_space<semaphore_mem>>)
      %ge3A_587 = arith.constant 4 : i32
      %ge3A_588 = arith.cmpi sge, %add3A_553, %ge3A_587 : i32
      %add3A_589 = arith.constant 2 : i32
      %add3A_590 = arith.addi %add3A_553, %add3A_589 : i32
      %lt3A_591 = arith.constant 256 : i32
      %lt3A_592 = arith.cmpi slt, %add3A_590, %lt3A_591 : i32
      %and3A_593 = arith.andi %ge3A_588, %lt3A_592 : i1
      %convert_element_type3A_594 = arith.extui %and3A_593 : i1 to i32
      %cond3A_595 = arith.constant 0 : i32
      %cond3A_596 = arith.cmpi ne, %convert_element_type3A_594, %cond3A_595 : i32
      scf.if %cond3A_596 {
        %add3A_656 = arith.constant 2 : i32
        %add3A_657 = arith.addi %add3A_553, %add3A_656 : i32
        %sub3A = arith.constant 6 : i32
        %sub3A_658 = arith.subi %add3A_657, %sub3A : i32
        %mul3A_659 = arith.constant 1 : i32
        %mul3A_660 = arith.muli %sub3A_658, %mul3A_659 : i32
        %add3A_661 = arith.addi %mul3A_2, %mul3A_660 : i32
        %dma_wait3A_662 = arith.constant 0 : i32
        %dma_wait3A_663 = arith.constant 0 : i32
        %dma_wait3A_664 = arith.constant 0 : i32
        %dma_wait3A_665 = arith.constant 0 : i32
        %dma_wait3A_666 = tpu.memref_slice %arg6[%dma_wait3A_662, %dma_wait3A_663, %dma_wait3A_664, %dma_wait3A_665] : memref<6x1x4x4096xf32, #tpu.memory_space<vmem>> -> memref<1x1x4x4096xf32, #tpu.memory_space<vmem>>
        %dma_wait3A_667 = tpu.memref_squeeze %dma_wait3A_666 : memref<1x1x4x4096xf32, #tpu.memory_space<vmem>> -> memref<1x4x4096xf32, #tpu.memory_space<vmem>>
        %dma_wait3A_668 = arith.constant 0 : i32
        %dma_wait3A_669 = arith.constant 0 : i32
        %dma_wait3A_670 = tpu.memref_slice %arg4[%add3A_661, %dma_wait3A_668, %dma_wait3A_669] : memref<8192x4x4096xf32, #tpu.memory_space<hbm>> -> memref<1x4x4096xf32, #tpu.memory_space<hbm>>
        %dma_wait3A_671 = arith.constant 0 : i32
        %dma_wait3A_672 = arith.constant 0 : i32
        %dma_wait3A_673 = tpu.memref_slice %arg4[%add3A_661, %dma_wait3A_671, %dma_wait3A_672] : memref<8192x4x4096xf32, #tpu.memory_space<hbm>> -> memref<1x4x4096xf32, #tpu.memory_space<hbm>>
        %dma_wait3A_674 = arith.constant 0 : i32
        %dma_wait3A_675 = arith.constant 0 : i32
        %dma_wait3A_676 = arith.constant 0 : i32
        %dma_wait3A_677 = tpu.memref_slice %arg6[%dma_wait3A_662, %dma_wait3A_674, %dma_wait3A_675, %dma_wait3A_676] : memref<6x1x4x4096xf32, #tpu.memory_space<vmem>> -> memref<1x1x4x4096xf32, #tpu.memory_space<vmem>>
        %dma_wait3A_678 = tpu.memref_squeeze %dma_wait3A_677 : memref<1x1x4x4096xf32, #tpu.memory_space<vmem>> -> memref<1x4x4096xf32, #tpu.memory_space<vmem>>
        tpu.wait_dma2 semaphore(%arg13 : memref<!tpu.dma_semaphore, #tpu.memory_space<semaphore_mem>>) src(%dma_wait3A_678 : memref<1x4x4096xf32, #tpu.memory_space<vmem>>) dst(%dma_wait3A_673 : memref<1x4x4096xf32, #tpu.memory_space<hbm>>)
      } else {
      }
      %add3A_597 = arith.constant 2 : i32
      %add3A_598 = arith.addi %add3A_553, %add3A_597 : i32
      %lt3A_599 = arith.constant 256 : i32
      %lt3A_600 = arith.cmpi slt, %add3A_598, %lt3A_599 : i32
      %convert_element_type3A_601 = arith.extui %lt3A_600 : i1 to i32
      %cond3A_602 = arith.constant 0 : i32
      %cond3A_603 = arith.cmpi ne, %convert_element_type3A_601, %cond3A_602 : i32
      scf.if %cond3A_603 {
        %add3A_656 = arith.constant 2 : i32
        %add3A_657 = arith.addi %add3A_553, %add3A_656 : i32
        %dma_start3A_658 = arith.constant 0 : i32
        %dma_start3A_659 = arith.constant 0 : i32
        %dma_start3A_660 = arith.constant 0 : i32
        %dma_start3A_661 = arith.constant 0 : i32
        %dma_start3A_662 = arith.constant 0 : i32
        %dma_start3A_663 = tpu.memref_slice %arg6[%dma_start3A_659, %dma_start3A_660, %dma_start3A_661, %dma_start3A_662] : memref<6x1x4x4096xf32, #tpu.memory_space<vmem>> -> memref<1x1x4x4096xf32, #tpu.memory_space<vmem>>
        %dma_start3A_664 = tpu.memref_squeeze %dma_start3A_663 : memref<1x1x4x4096xf32, #tpu.memory_space<vmem>> -> memref<4x4096xf32, #tpu.memory_space<vmem>>
        %dma_start3A_665 = arith.constant 0 : i32
        %dma_start3A_666 = tpu.memref_slice %arg5[%add3A_657, %dma_start3A_658, %dma_start3A_665] : memref<256x1x4xi32, #tpu.memory_space<vmem>> -> memref<1x1x4xi32, #tpu.memory_space<vmem>>
        %dma_start3A_667 = tpu.memref_squeeze %dma_start3A_666 : memref<1x1x4xi32, #tpu.memory_space<vmem>> -> memref<4xi32, #tpu.memory_space<vmem>>
        %dma_start3A_668 = arith.constant 0 : i32
        %dma_start3A_669 = arith.constant 0 : i32
        %dma_start3A_670 = tpu.memref_slice %arg3[%dma_start3A_668, %dma_start3A_669] : memref<65024x4096xf32, #tpu.memory_space<hbm>> -> memref<65024x4096xf32, #tpu.memory_space<hbm>>
        tpu.enqueue_indirect_dma source(%dma_start3A_670 : memref<65024x4096xf32, #tpu.memory_space<hbm>>) target(%dma_start3A_664 : memref<4x4096xf32, #tpu.memory_space<vmem>>) offsets(%dma_start3A_667 : memref<4xi32, #tpu.memory_space<vmem>>) semaphore(%arg7 : memref<!tpu.dma_semaphore, #tpu.memory_space<semaphore_mem>>)
      } else {
      }
      %add3A_604 = arith.constant 5 : i32
      %add3A_605 = arith.addi %mul3A_348, %add3A_604 : i32
      %dma_wait3A_606 = arith.constant 0 : i32
      %dma_wait3A_607 = arith.constant 5 : i32
      %dma_wait3A_608 = arith.constant 0 : i32
      %dma_wait3A_609 = arith.constant 0 : i32
      %dma_wait3A_610 = arith.constant 0 : i32
      %dma_wait3A_611 = tpu.memref_slice %arg6[%dma_wait3A_607, %dma_wait3A_608, %dma_wait3A_609, %dma_wait3A_610] : memref<6x1x4x4096xf32, #tpu.memory_space<vmem>> -> memref<1x1x4x4096xf32, #tpu.memory_space<vmem>>
      %dma_wait3A_612 = tpu.memref_squeeze %dma_wait3A_611 : memref<1x1x4x4096xf32, #tpu.memory_space<vmem>> -> memref<4x4096xf32, #tpu.memory_space<vmem>>
      %dma_wait3A_613 = arith.constant 0 : i32
      %dma_wait3A_614 = tpu.memref_slice %arg5[%add3A_605, %dma_wait3A_606, %dma_wait3A_613] : memref<256x1x4xi32, #tpu.memory_space<vmem>> -> memref<1x1x4xi32, #tpu.memory_space<vmem>>
      %dma_wait3A_615 = tpu.memref_squeeze %dma_wait3A_614 : memref<1x1x4xi32, #tpu.memory_space<vmem>> -> memref<4xi32, #tpu.memory_space<vmem>>
      %dma_wait3A_616 = arith.constant 0 : i32
      %dma_wait3A_617 = arith.constant 0 : i32
      %dma_wait3A_618 = tpu.memref_slice %arg3[%dma_wait3A_616, %dma_wait3A_617] : memref<65024x4096xf32, #tpu.memory_space<hbm>> -> memref<65024x4096xf32, #tpu.memory_space<hbm>>
      tpu.wait_indirect_dma semaphore(%arg12 : memref<!tpu.dma_semaphore, #tpu.memory_space<semaphore_mem>>) src(%dma_wait3A_618 : memref<65024x4096xf32, #tpu.memory_space<hbm>>) dst(%dma_wait3A_612 : memref<4x4096xf32, #tpu.memory_space<vmem>>)
      %mul3A_619 = arith.constant 1 : i32
      %mul3A_620 = arith.muli %add3A_605, %mul3A_619 : i32
      %add3A_621 = arith.addi %mul3A_2, %mul3A_620 : i32
      %dma_start3A_622 = arith.constant 5 : i32
      %dma_start3A_623 = arith.constant 0 : i32
      %dma_start3A_624 = arith.constant 0 : i32
      %dma_start3A_625 = arith.constant 0 : i32
      %dma_start3A_626 = tpu.memref_slice %arg6[%dma_start3A_622, %dma_start3A_623, %dma_start3A_624, %dma_start3A_625] : memref<6x1x4x4096xf32, #tpu.memory_space<vmem>> -> memref<1x1x4x4096xf32, #tpu.memory_space<vmem>>
      %dma_start3A_627 = tpu.memref_squeeze %dma_start3A_626 : memref<1x1x4x4096xf32, #tpu.memory_space<vmem>> -> memref<1x4x4096xf32, #tpu.memory_space<vmem>>
      %dma_start3A_628 = arith.constant 0 : i32
      %dma_start3A_629 = arith.constant 0 : i32
      %dma_start3A_630 = tpu.memref_slice %arg4[%add3A_621, %dma_start3A_628, %dma_start3A_629] : memref<8192x4x4096xf32, #tpu.memory_space<hbm>> -> memref<1x4x4096xf32, #tpu.memory_space<hbm>>
      %dma_start3A_631 = arith.constant 0 : i32
      %dma_start3A_632 = arith.constant 0 : i32
      %dma_start3A_633 = tpu.memref_slice %arg4[%add3A_621, %dma_start3A_631, %dma_start3A_632] : memref<8192x4x4096xf32, #tpu.memory_space<hbm>> -> memref<1x4x4096xf32, #tpu.memory_space<hbm>>
      %dma_start3A_634 = arith.constant 0 : i32
      %dma_start3A_635 = arith.constant 0 : i32
      %dma_start3A_636 = arith.constant 0 : i32
      %dma_start3A_637 = tpu.memref_slice %arg6[%dma_start3A_622, %dma_start3A_634, %dma_start3A_635, %dma_start3A_636] : memref<6x1x4x4096xf32, #tpu.memory_space<vmem>> -> memref<1x1x4x4096xf32, #tpu.memory_space<vmem>>
      %dma_start3A_638 = tpu.memref_squeeze %dma_start3A_637 : memref<1x1x4x4096xf32, #tpu.memory_space<vmem>> -> memref<1x4x4096xf32, #tpu.memory_space<vmem>>
      tpu.enqueue_dma source(%dma_start3A_638 : memref<1x4x4096xf32, #tpu.memory_space<vmem>>) target(%dma_start3A_633 : memref<1x4x4096xf32, #tpu.memory_space<hbm>>) target_semaphore(%arg18 : memref<!tpu.dma_semaphore, #tpu.memory_space<semaphore_mem>>)
      %ge3A_639 = arith.constant 4 : i32
      %ge3A_640 = arith.cmpi sge, %add3A_605, %ge3A_639 : i32
      %add3A_641 = arith.constant 2 : i32
      %add3A_642 = arith.addi %add3A_605, %add3A_641 : i32
      %lt3A_643 = arith.constant 256 : i32
      %lt3A_644 = arith.cmpi slt, %add3A_642, %lt3A_643 : i32
      %and3A_645 = arith.andi %ge3A_640, %lt3A_644 : i1
      %convert_element_type3A_646 = arith.extui %and3A_645 : i1 to i32
      %cond3A_647 = arith.constant 0 : i32
      %cond3A_648 = arith.cmpi ne, %convert_element_type3A_646, %cond3A_647 : i32
      scf.if %cond3A_648 {
        %add3A_656 = arith.constant 2 : i32
        %add3A_657 = arith.addi %add3A_605, %add3A_656 : i32
        %sub3A = arith.constant 6 : i32
        %sub3A_658 = arith.subi %add3A_657, %sub3A : i32
        %mul3A_659 = arith.constant 1 : i32
        %mul3A_660 = arith.muli %sub3A_658, %mul3A_659 : i32
        %add3A_661 = arith.addi %mul3A_2, %mul3A_660 : i32
        %dma_wait3A_662 = arith.constant 1 : i32
        %dma_wait3A_663 = arith.constant 0 : i32
        %dma_wait3A_664 = arith.constant 0 : i32
        %dma_wait3A_665 = arith.constant 0 : i32
        %dma_wait3A_666 = tpu.memref_slice %arg6[%dma_wait3A_662, %dma_wait3A_663, %dma_wait3A_664, %dma_wait3A_665] : memref<6x1x4x4096xf32, #tpu.memory_space<vmem>> -> memref<1x1x4x4096xf32, #tpu.memory_space<vmem>>
        %dma_wait3A_667 = tpu.memref_squeeze %dma_wait3A_666 : memref<1x1x4x4096xf32, #tpu.memory_space<vmem>> -> memref<1x4x4096xf32, #tpu.memory_space<vmem>>
        %dma_wait3A_668 = arith.constant 0 : i32
        %dma_wait3A_669 = arith.constant 0 : i32
        %dma_wait3A_670 = tpu.memref_slice %arg4[%add3A_661, %dma_wait3A_668, %dma_wait3A_669] : memref<8192x4x4096xf32, #tpu.memory_space<hbm>> -> memref<1x4x4096xf32, #tpu.memory_space<hbm>>
        %dma_wait3A_671 = arith.constant 0 : i32
        %dma_wait3A_672 = arith.constant 0 : i32
        %dma_wait3A_673 = tpu.memref_slice %arg4[%add3A_661, %dma_wait3A_671, %dma_wait3A_672] : memref<8192x4x4096xf32, #tpu.memory_space<hbm>> -> memref<1x4x4096xf32, #tpu.memory_space<hbm>>
        %dma_wait3A_674 = arith.constant 0 : i32
        %dma_wait3A_675 = arith.constant 0 : i32
        %dma_wait3A_676 = arith.constant 0 : i32
        %dma_wait3A_677 = tpu.memref_slice %arg6[%dma_wait3A_662, %dma_wait3A_674, %dma_wait3A_675, %dma_wait3A_676] : memref<6x1x4x4096xf32, #tpu.memory_space<vmem>> -> memref<1x1x4x4096xf32, #tpu.memory_space<vmem>>
        %dma_wait3A_678 = tpu.memref_squeeze %dma_wait3A_677 : memref<1x1x4x4096xf32, #tpu.memory_space<vmem>> -> memref<1x4x4096xf32, #tpu.memory_space<vmem>>
        tpu.wait_dma2 semaphore(%arg14 : memref<!tpu.dma_semaphore, #tpu.memory_space<semaphore_mem>>) src(%dma_wait3A_678 : memref<1x4x4096xf32, #tpu.memory_space<vmem>>) dst(%dma_wait3A_673 : memref<1x4x4096xf32, #tpu.memory_space<hbm>>)
      } else {
      }
      %add3A_649 = arith.constant 2 : i32
      %add3A_650 = arith.addi %add3A_605, %add3A_649 : i32
      %lt3A_651 = arith.constant 256 : i32
      %lt3A_652 = arith.cmpi slt, %add3A_650, %lt3A_651 : i32
      %convert_element_type3A_653 = arith.extui %lt3A_652 : i1 to i32
      %cond3A_654 = arith.constant 0 : i32
      %cond3A_655 = arith.cmpi ne, %convert_element_type3A_653, %cond3A_654 : i32
      scf.if %cond3A_655 {
        %add3A_656 = arith.constant 2 : i32
        %add3A_657 = arith.addi %add3A_605, %add3A_656 : i32
        %dma_start3A_658 = arith.constant 0 : i32
        %dma_start3A_659 = arith.constant 1 : i32
        %dma_start3A_660 = arith.constant 0 : i32
        %dma_start3A_661 = arith.constant 0 : i32
        %dma_start3A_662 = arith.constant 0 : i32
        %dma_start3A_663 = tpu.memref_slice %arg6[%dma_start3A_659, %dma_start3A_660, %dma_start3A_661, %dma_start3A_662] : memref<6x1x4x4096xf32, #tpu.memory_space<vmem>> -> memref<1x1x4x4096xf32, #tpu.memory_space<vmem>>
        %dma_start3A_664 = tpu.memref_squeeze %dma_start3A_663 : memref<1x1x4x4096xf32, #tpu.memory_space<vmem>> -> memref<4x4096xf32, #tpu.memory_space<vmem>>
        %dma_start3A_665 = arith.constant 0 : i32
        %dma_start3A_666 = tpu.memref_slice %arg5[%add3A_657, %dma_start3A_658, %dma_start3A_665] : memref<256x1x4xi32, #tpu.memory_space<vmem>> -> memref<1x1x4xi32, #tpu.memory_space<vmem>>
        %dma_start3A_667 = tpu.memref_squeeze %dma_start3A_666 : memref<1x1x4xi32, #tpu.memory_space<vmem>> -> memref<4xi32, #tpu.memory_space<vmem>>
        %dma_start3A_668 = arith.constant 0 : i32
        %dma_start3A_669 = arith.constant 0 : i32
        %dma_start3A_670 = tpu.memref_slice %arg3[%dma_start3A_668, %dma_start3A_669] : memref<65024x4096xf32, #tpu.memory_space<hbm>> -> memref<65024x4096xf32, #tpu.memory_space<hbm>>
        tpu.enqueue_indirect_dma source(%dma_start3A_670 : memref<65024x4096xf32, #tpu.memory_space<hbm>>) target(%dma_start3A_664 : memref<4x4096xf32, #tpu.memory_space<vmem>>) offsets(%dma_start3A_667 : memref<4xi32, #tpu.memory_space<vmem>>) semaphore(%arg8 : memref<!tpu.dma_semaphore, #tpu.memory_space<semaphore_mem>>)
      } else {
      }
    }
    %scan3A_34 = arith.constant 42 : i32
    %dma_wait3A = arith.constant 252 : i32
    %dma_wait3A_35 = arith.constant 0 : i32
    %dma_wait3A_36 = arith.constant 0 : i32
    %dma_wait3A_37 = arith.constant 0 : i32
    %dma_wait3A_38 = arith.constant 0 : i32
    %dma_wait3A_39 = arith.constant 0 : i32
    %dma_wait3A_40 = tpu.memref_slice %arg6[%dma_wait3A_36, %dma_wait3A_37, %dma_wait3A_38, %dma_wait3A_39] : memref<6x1x4x4096xf32, #tpu.memory_space<vmem>> -> memref<1x1x4x4096xf32, #tpu.memory_space<vmem>>
    %dma_wait3A_41 = tpu.memref_squeeze %dma_wait3A_40 : memref<1x1x4x4096xf32, #tpu.memory_space<vmem>> -> memref<4x4096xf32, #tpu.memory_space<vmem>>
    %dma_wait3A_42 = arith.constant 0 : i32
    %dma_wait3A_43 = tpu.memref_slice %arg5[%dma_wait3A, %dma_wait3A_35, %dma_wait3A_42] : memref<256x1x4xi32, #tpu.memory_space<vmem>> -> memref<1x1x4xi32, #tpu.memory_space<vmem>>
    %dma_wait3A_44 = tpu.memref_squeeze %dma_wait3A_43 : memref<1x1x4xi32, #tpu.memory_space<vmem>> -> memref<4xi32, #tpu.memory_space<vmem>>
    %dma_wait3A_45 = arith.constant 0 : i32
    %dma_wait3A_46 = arith.constant 0 : i32
    %dma_wait3A_47 = tpu.memref_slice %arg3[%dma_wait3A_45, %dma_wait3A_46] : memref<65024x4096xf32, #tpu.memory_space<hbm>> -> memref<65024x4096xf32, #tpu.memory_space<hbm>>
    tpu.wait_indirect_dma semaphore(%arg7 : memref<!tpu.dma_semaphore, #tpu.memory_space<semaphore_mem>>) src(%dma_wait3A_47 : memref<65024x4096xf32, #tpu.memory_space<hbm>>) dst(%dma_wait3A_41 : memref<4x4096xf32, #tpu.memory_space<vmem>>)
    %add3A_48 = arith.constant 252 : i32
    %add3A_49 = arith.addi %mul3A_2, %add3A_48 : i32
    %dma_start3A_50 = arith.constant 0 : i32
    %dma_start3A_51 = arith.constant 0 : i32
    %dma_start3A_52 = arith.constant 0 : i32
    %dma_start3A_53 = arith.constant 0 : i32
    %dma_start3A_54 = tpu.memref_slice %arg6[%dma_start3A_50, %dma_start3A_51, %dma_start3A_52, %dma_start3A_53] : memref<6x1x4x4096xf32, #tpu.memory_space<vmem>> -> memref<1x1x4x4096xf32, #tpu.memory_space<vmem>>
    %dma_start3A_55 = tpu.memref_squeeze %dma_start3A_54 : memref<1x1x4x4096xf32, #tpu.memory_space<vmem>> -> memref<1x4x4096xf32, #tpu.memory_space<vmem>>
    %dma_start3A_56 = arith.constant 0 : i32
    %dma_start3A_57 = arith.constant 0 : i32
    %dma_start3A_58 = tpu.memref_slice %arg4[%add3A_49, %dma_start3A_56, %dma_start3A_57] : memref<8192x4x4096xf32, #tpu.memory_space<hbm>> -> memref<1x4x4096xf32, #tpu.memory_space<hbm>>
    %dma_start3A_59 = arith.constant 0 : i32
    %dma_start3A_60 = arith.constant 0 : i32
    %dma_start3A_61 = tpu.memref_slice %arg4[%add3A_49, %dma_start3A_59, %dma_start3A_60] : memref<8192x4x4096xf32, #tpu.memory_space<hbm>> -> memref<1x4x4096xf32, #tpu.memory_space<hbm>>
    %dma_start3A_62 = arith.constant 0 : i32
    %dma_start3A_63 = arith.constant 0 : i32
    %dma_start3A_64 = arith.constant 0 : i32
    %dma_start3A_65 = tpu.memref_slice %arg6[%dma_start3A_50, %dma_start3A_62, %dma_start3A_63, %dma_start3A_64] : memref<6x1x4x4096xf32, #tpu.memory_space<vmem>> -> memref<1x1x4x4096xf32, #tpu.memory_space<vmem>>
    %dma_start3A_66 = tpu.memref_squeeze %dma_start3A_65 : memref<1x1x4x4096xf32, #tpu.memory_space<vmem>> -> memref<1x4x4096xf32, #tpu.memory_space<vmem>>
    tpu.enqueue_dma source(%dma_start3A_66 : memref<1x4x4096xf32, #tpu.memory_space<vmem>>) target(%dma_start3A_61 : memref<1x4x4096xf32, #tpu.memory_space<hbm>>) target_semaphore(%arg13 : memref<!tpu.dma_semaphore, #tpu.memory_space<semaphore_mem>>)
    %add3A_67 = arith.constant 248 : i32
    %add3A_68 = arith.addi %mul3A_2, %add3A_67 : i32
    %dma_wait3A_69 = arith.constant 2 : i32
    %dma_wait3A_70 = arith.constant 0 : i32
    %dma_wait3A_71 = arith.constant 0 : i32
    %dma_wait3A_72 = arith.constant 0 : i32
    %dma_wait3A_73 = tpu.memref_slice %arg6[%dma_wait3A_69, %dma_wait3A_70, %dma_wait3A_71, %dma_wait3A_72] : memref<6x1x4x4096xf32, #tpu.memory_space<vmem>> -> memref<1x1x4x4096xf32, #tpu.memory_space<vmem>>
    %dma_wait3A_74 = tpu.memref_squeeze %dma_wait3A_73 : memref<1x1x4x4096xf32, #tpu.memory_space<vmem>> -> memref<1x4x4096xf32, #tpu.memory_space<vmem>>
    %dma_wait3A_75 = arith.constant 0 : i32
    %dma_wait3A_76 = arith.constant 0 : i32
    %dma_wait3A_77 = tpu.memref_slice %arg4[%add3A_68, %dma_wait3A_75, %dma_wait3A_76] : memref<8192x4x4096xf32, #tpu.memory_space<hbm>> -> memref<1x4x4096xf32, #tpu.memory_space<hbm>>
    %dma_wait3A_78 = arith.constant 0 : i32
    %dma_wait3A_79 = arith.constant 0 : i32
    %dma_wait3A_80 = tpu.memref_slice %arg4[%add3A_68, %dma_wait3A_78, %dma_wait3A_79] : memref<8192x4x4096xf32, #tpu.memory_space<hbm>> -> memref<1x4x4096xf32, #tpu.memory_space<hbm>>
    %dma_wait3A_81 = arith.constant 0 : i32
    %dma_wait3A_82 = arith.constant 0 : i32
    %dma_wait3A_83 = arith.constant 0 : i32
    %dma_wait3A_84 = tpu.memref_slice %arg6[%dma_wait3A_69, %dma_wait3A_81, %dma_wait3A_82, %dma_wait3A_83] : memref<6x1x4x4096xf32, #tpu.memory_space<vmem>> -> memref<1x1x4x4096xf32, #tpu.memory_space<vmem>>
    %dma_wait3A_85 = tpu.memref_squeeze %dma_wait3A_84 : memref<1x1x4x4096xf32, #tpu.memory_space<vmem>> -> memref<1x4x4096xf32, #tpu.memory_space<vmem>>
    tpu.wait_dma2 semaphore(%arg15 : memref<!tpu.dma_semaphore, #tpu.memory_space<semaphore_mem>>) src(%dma_wait3A_85 : memref<1x4x4096xf32, #tpu.memory_space<vmem>>) dst(%dma_wait3A_80 : memref<1x4x4096xf32, #tpu.memory_space<hbm>>)
    %dma_start3A_86 = arith.constant 254 : i32
    %dma_start3A_87 = arith.constant 0 : i32
    %dma_start3A_88 = arith.constant 2 : i32
    %dma_start3A_89 = arith.constant 0 : i32
    %dma_start3A_90 = arith.constant 0 : i32
    %dma_start3A_91 = arith.constant 0 : i32
    %dma_start3A_92 = tpu.memref_slice %arg6[%dma_start3A_88, %dma_start3A_89, %dma_start3A_90, %dma_start3A_91] : memref<6x1x4x4096xf32, #tpu.memory_space<vmem>> -> memref<1x1x4x4096xf32, #tpu.memory_space<vmem>>
    %dma_start3A_93 = tpu.memref_squeeze %dma_start3A_92 : memref<1x1x4x4096xf32, #tpu.memory_space<vmem>> -> memref<4x4096xf32, #tpu.memory_space<vmem>>
    %dma_start3A_94 = arith.constant 0 : i32
    %dma_start3A_95 = tpu.memref_slice %arg5[%dma_start3A_86, %dma_start3A_87, %dma_start3A_94] : memref<256x1x4xi32, #tpu.memory_space<vmem>> -> memref<1x1x4xi32, #tpu.memory_space<vmem>>
    %dma_start3A_96 = tpu.memref_squeeze %dma_start3A_95 : memref<1x1x4xi32, #tpu.memory_space<vmem>> -> memref<4xi32, #tpu.memory_space<vmem>>
    %dma_start3A_97 = arith.constant 0 : i32
    %dma_start3A_98 = arith.constant 0 : i32
    %dma_start3A_99 = tpu.memref_slice %arg3[%dma_start3A_97, %dma_start3A_98] : memref<65024x4096xf32, #tpu.memory_space<hbm>> -> memref<65024x4096xf32, #tpu.memory_space<hbm>>
    tpu.enqueue_indirect_dma source(%dma_start3A_99 : memref<65024x4096xf32, #tpu.memory_space<hbm>>) target(%dma_start3A_93 : memref<4x4096xf32, #tpu.memory_space<vmem>>) offsets(%dma_start3A_96 : memref<4xi32, #tpu.memory_space<vmem>>) semaphore(%arg9 : memref<!tpu.dma_semaphore, #tpu.memory_space<semaphore_mem>>)
    %dma_wait3A_100 = arith.constant 253 : i32
    %dma_wait3A_101 = arith.constant 0 : i32
    %dma_wait3A_102 = arith.constant 1 : i32
    %dma_wait3A_103 = arith.constant 0 : i32
    %dma_wait3A_104 = arith.constant 0 : i32
    %dma_wait3A_105 = arith.constant 0 : i32
    %dma_wait3A_106 = tpu.memref_slice %arg6[%dma_wait3A_102, %dma_wait3A_103, %dma_wait3A_104, %dma_wait3A_105] : memref<6x1x4x4096xf32, #tpu.memory_space<vmem>> -> memref<1x1x4x4096xf32, #tpu.memory_space<vmem>>
    %dma_wait3A_107 = tpu.memref_squeeze %dma_wait3A_106 : memref<1x1x4x4096xf32, #tpu.memory_space<vmem>> -> memref<4x4096xf32, #tpu.memory_space<vmem>>
    %dma_wait3A_108 = arith.constant 0 : i32
    %dma_wait3A_109 = tpu.memref_slice %arg5[%dma_wait3A_100, %dma_wait3A_101, %dma_wait3A_108] : memref<256x1x4xi32, #tpu.memory_space<vmem>> -> memref<1x1x4xi32, #tpu.memory_space<vmem>>
    %dma_wait3A_110 = tpu.memref_squeeze %dma_wait3A_109 : memref<1x1x4xi32, #tpu.memory_space<vmem>> -> memref<4xi32, #tpu.memory_space<vmem>>
    %dma_wait3A_111 = arith.constant 0 : i32
    %dma_wait3A_112 = arith.constant 0 : i32
    %dma_wait3A_113 = tpu.memref_slice %arg3[%dma_wait3A_111, %dma_wait3A_112] : memref<65024x4096xf32, #tpu.memory_space<hbm>> -> memref<65024x4096xf32, #tpu.memory_space<hbm>>
    tpu.wait_indirect_dma semaphore(%arg8 : memref<!tpu.dma_semaphore, #tpu.memory_space<semaphore_mem>>) src(%dma_wait3A_113 : memref<65024x4096xf32, #tpu.memory_space<hbm>>) dst(%dma_wait3A_107 : memref<4x4096xf32, #tpu.memory_space<vmem>>)
    %add3A_114 = arith.constant 253 : i32
    %add3A_115 = arith.addi %mul3A_2, %add3A_114 : i32
    %dma_start3A_116 = arith.constant 1 : i32
    %dma_start3A_117 = arith.constant 0 : i32
    %dma_start3A_118 = arith.constant 0 : i32
    %dma_start3A_119 = arith.constant 0 : i32
    %dma_start3A_120 = tpu.memref_slice %arg6[%dma_start3A_116, %dma_start3A_117, %dma_start3A_118, %dma_start3A_119] : memref<6x1x4x4096xf32, #tpu.memory_space<vmem>> -> memref<1x1x4x4096xf32, #tpu.memory_space<vmem>>
    %dma_start3A_121 = tpu.memref_squeeze %dma_start3A_120 : memref<1x1x4x4096xf32, #tpu.memory_space<vmem>> -> memref<1x4x4096xf32, #tpu.memory_space<vmem>>
    %dma_start3A_122 = arith.constant 0 : i32
    %dma_start3A_123 = arith.constant 0 : i32
    %dma_start3A_124 = tpu.memref_slice %arg4[%add3A_115, %dma_start3A_122, %dma_start3A_123] : memref<8192x4x4096xf32, #tpu.memory_space<hbm>> -> memref<1x4x4096xf32, #tpu.memory_space<hbm>>
    %dma_start3A_125 = arith.constant 0 : i32
    %dma_start3A_126 = arith.constant 0 : i32
    %dma_start3A_127 = tpu.memref_slice %arg4[%add3A_115, %dma_start3A_125, %dma_start3A_126] : memref<8192x4x4096xf32, #tpu.memory_space<hbm>> -> memref<1x4x4096xf32, #tpu.memory_space<hbm>>
    %dma_start3A_128 = arith.constant 0 : i32
    %dma_start3A_129 = arith.constant 0 : i32
    %dma_start3A_130 = arith.constant 0 : i32
    %dma_start3A_131 = tpu.memref_slice %arg6[%dma_start3A_116, %dma_start3A_128, %dma_start3A_129, %dma_start3A_130] : memref<6x1x4x4096xf32, #tpu.memory_space<vmem>> -> memref<1x1x4x4096xf32, #tpu.memory_space<vmem>>
    %dma_start3A_132 = tpu.memref_squeeze %dma_start3A_131 : memref<1x1x4x4096xf32, #tpu.memory_space<vmem>> -> memref<1x4x4096xf32, #tpu.memory_space<vmem>>
    tpu.enqueue_dma source(%dma_start3A_132 : memref<1x4x4096xf32, #tpu.memory_space<vmem>>) target(%dma_start3A_127 : memref<1x4x4096xf32, #tpu.memory_space<hbm>>) target_semaphore(%arg14 : memref<!tpu.dma_semaphore, #tpu.memory_space<semaphore_mem>>)
    %add3A_133 = arith.constant 249 : i32
    %add3A_134 = arith.addi %mul3A_2, %add3A_133 : i32
    %dma_wait3A_135 = arith.constant 3 : i32
    %dma_wait3A_136 = arith.constant 0 : i32
    %dma_wait3A_137 = arith.constant 0 : i32
    %dma_wait3A_138 = arith.constant 0 : i32
    %dma_wait3A_139 = tpu.memref_slice %arg6[%dma_wait3A_135, %dma_wait3A_136, %dma_wait3A_137, %dma_wait3A_138] : memref<6x1x4x4096xf32, #tpu.memory_space<vmem>> -> memref<1x1x4x4096xf32, #tpu.memory_space<vmem>>
    %dma_wait3A_140 = tpu.memref_squeeze %dma_wait3A_139 : memref<1x1x4x4096xf32, #tpu.memory_space<vmem>> -> memref<1x4x4096xf32, #tpu.memory_space<vmem>>
    %dma_wait3A_141 = arith.constant 0 : i32
    %dma_wait3A_142 = arith.constant 0 : i32
    %dma_wait3A_143 = tpu.memref_slice %arg4[%add3A_134, %dma_wait3A_141, %dma_wait3A_142] : memref<8192x4x4096xf32, #tpu.memory_space<hbm>> -> memref<1x4x4096xf32, #tpu.memory_space<hbm>>
    %dma_wait3A_144 = arith.constant 0 : i32
    %dma_wait3A_145 = arith.constant 0 : i32
    %dma_wait3A_146 = tpu.memref_slice %arg4[%add3A_134, %dma_wait3A_144, %dma_wait3A_145] : memref<8192x4x4096xf32, #tpu.memory_space<hbm>> -> memref<1x4x4096xf32, #tpu.memory_space<hbm>>
    %dma_wait3A_147 = arith.constant 0 : i32
    %dma_wait3A_148 = arith.constant 0 : i32
    %dma_wait3A_149 = arith.constant 0 : i32
    %dma_wait3A_150 = tpu.memref_slice %arg6[%dma_wait3A_135, %dma_wait3A_147, %dma_wait3A_148, %dma_wait3A_149] : memref<6x1x4x4096xf32, #tpu.memory_space<vmem>> -> memref<1x1x4x4096xf32, #tpu.memory_space<vmem>>
    %dma_wait3A_151 = tpu.memref_squeeze %dma_wait3A_150 : memref<1x1x4x4096xf32, #tpu.memory_space<vmem>> -> memref<1x4x4096xf32, #tpu.memory_space<vmem>>
    tpu.wait_dma2 semaphore(%arg16 : memref<!tpu.dma_semaphore, #tpu.memory_space<semaphore_mem>>) src(%dma_wait3A_151 : memref<1x4x4096xf32, #tpu.memory_space<vmem>>) dst(%dma_wait3A_146 : memref<1x4x4096xf32, #tpu.memory_space<hbm>>)
    %dma_start3A_152 = arith.constant 255 : i32
    %dma_start3A_153 = arith.constant 0 : i32
    %dma_start3A_154 = arith.constant 3 : i32
    %dma_start3A_155 = arith.constant 0 : i32
    %dma_start3A_156 = arith.constant 0 : i32
    %dma_start3A_157 = arith.constant 0 : i32
    %dma_start3A_158 = tpu.memref_slice %arg6[%dma_start3A_154, %dma_start3A_155, %dma_start3A_156, %dma_start3A_157] : memref<6x1x4x4096xf32, #tpu.memory_space<vmem>> -> memref<1x1x4x4096xf32, #tpu.memory_space<vmem>>
    %dma_start3A_159 = tpu.memref_squeeze %dma_start3A_158 : memref<1x1x4x4096xf32, #tpu.memory_space<vmem>> -> memref<4x4096xf32, #tpu.memory_space<vmem>>
    %dma_start3A_160 = arith.constant 0 : i32
    %dma_start3A_161 = tpu.memref_slice %arg5[%dma_start3A_152, %dma_start3A_153, %dma_start3A_160] : memref<256x1x4xi32, #tpu.memory_space<vmem>> -> memref<1x1x4xi32, #tpu.memory_space<vmem>>
    %dma_start3A_162 = tpu.memref_squeeze %dma_start3A_161 : memref<1x1x4xi32, #tpu.memory_space<vmem>> -> memref<4xi32, #tpu.memory_space<vmem>>
    %dma_start3A_163 = arith.constant 0 : i32
    %dma_start3A_164 = arith.constant 0 : i32
    %dma_start3A_165 = tpu.memref_slice %arg3[%dma_start3A_163, %dma_start3A_164] : memref<65024x4096xf32, #tpu.memory_space<hbm>> -> memref<65024x4096xf32, #tpu.memory_space<hbm>>
    tpu.enqueue_indirect_dma source(%dma_start3A_165 : memref<65024x4096xf32, #tpu.memory_space<hbm>>) target(%dma_start3A_159 : memref<4x4096xf32, #tpu.memory_space<vmem>>) offsets(%dma_start3A_162 : memref<4xi32, #tpu.memory_space<vmem>>) semaphore(%arg10 : memref<!tpu.dma_semaphore, #tpu.memory_space<semaphore_mem>>)
    %dma_wait3A_166 = arith.constant 254 : i32
    %dma_wait3A_167 = arith.constant 0 : i32
    %dma_wait3A_168 = arith.constant 2 : i32
    %dma_wait3A_169 = arith.constant 0 : i32
    %dma_wait3A_170 = arith.constant 0 : i32
    %dma_wait3A_171 = arith.constant 0 : i32
    %dma_wait3A_172 = tpu.memref_slice %arg6[%dma_wait3A_168, %dma_wait3A_169, %dma_wait3A_170, %dma_wait3A_171] : memref<6x1x4x4096xf32, #tpu.memory_space<vmem>> -> memref<1x1x4x4096xf32, #tpu.memory_space<vmem>>
    %dma_wait3A_173 = tpu.memref_squeeze %dma_wait3A_172 : memref<1x1x4x4096xf32, #tpu.memory_space<vmem>> -> memref<4x4096xf32, #tpu.memory_space<vmem>>
    %dma_wait3A_174 = arith.constant 0 : i32
    %dma_wait3A_175 = tpu.memref_slice %arg5[%dma_wait3A_166, %dma_wait3A_167, %dma_wait3A_174] : memref<256x1x4xi32, #tpu.memory_space<vmem>> -> memref<1x1x4xi32, #tpu.memory_space<vmem>>
    %dma_wait3A_176 = tpu.memref_squeeze %dma_wait3A_175 : memref<1x1x4xi32, #tpu.memory_space<vmem>> -> memref<4xi32, #tpu.memory_space<vmem>>
    %dma_wait3A_177 = arith.constant 0 : i32
    %dma_wait3A_178 = arith.constant 0 : i32
    %dma_wait3A_179 = tpu.memref_slice %arg3[%dma_wait3A_177, %dma_wait3A_178] : memref<65024x4096xf32, #tpu.memory_space<hbm>> -> memref<65024x4096xf32, #tpu.memory_space<hbm>>
    tpu.wait_indirect_dma semaphore(%arg9 : memref<!tpu.dma_semaphore, #tpu.memory_space<semaphore_mem>>) src(%dma_wait3A_179 : memref<65024x4096xf32, #tpu.memory_space<hbm>>) dst(%dma_wait3A_173 : memref<4x4096xf32, #tpu.memory_space<vmem>>)
    %add3A_180 = arith.constant 254 : i32
    %add3A_181 = arith.addi %mul3A_2, %add3A_180 : i32
    %dma_start3A_182 = arith.constant 2 : i32
    %dma_start3A_183 = arith.constant 0 : i32
    %dma_start3A_184 = arith.constant 0 : i32
    %dma_start3A_185 = arith.constant 0 : i32
    %dma_start3A_186 = tpu.memref_slice %arg6[%dma_start3A_182, %dma_start3A_183, %dma_start3A_184, %dma_start3A_185] : memref<6x1x4x4096xf32, #tpu.memory_space<vmem>> -> memref<1x1x4x4096xf32, #tpu.memory_space<vmem>>
    %dma_start3A_187 = tpu.memref_squeeze %dma_start3A_186 : memref<1x1x4x4096xf32, #tpu.memory_space<vmem>> -> memref<1x4x4096xf32, #tpu.memory_space<vmem>>
    %dma_start3A_188 = arith.constant 0 : i32
    %dma_start3A_189 = arith.constant 0 : i32
    %dma_start3A_190 = tpu.memref_slice %arg4[%add3A_181, %dma_start3A_188, %dma_start3A_189] : memref<8192x4x4096xf32, #tpu.memory_space<hbm>> -> memref<1x4x4096xf32, #tpu.memory_space<hbm>>
    %dma_start3A_191 = arith.constant 0 : i32
    %dma_start3A_192 = arith.constant 0 : i32
    %dma_start3A_193 = tpu.memref_slice %arg4[%add3A_181, %dma_start3A_191, %dma_start3A_192] : memref<8192x4x4096xf32, #tpu.memory_space<hbm>> -> memref<1x4x4096xf32, #tpu.memory_space<hbm>>
    %dma_start3A_194 = arith.constant 0 : i32
    %dma_start3A_195 = arith.constant 0 : i32
    %dma_start3A_196 = arith.constant 0 : i32
    %dma_start3A_197 = tpu.memref_slice %arg6[%dma_start3A_182, %dma_start3A_194, %dma_start3A_195, %dma_start3A_196] : memref<6x1x4x4096xf32, #tpu.memory_space<vmem>> -> memref<1x1x4x4096xf32, #tpu.memory_space<vmem>>
    %dma_start3A_198 = tpu.memref_squeeze %dma_start3A_197 : memref<1x1x4x4096xf32, #tpu.memory_space<vmem>> -> memref<1x4x4096xf32, #tpu.memory_space<vmem>>
    tpu.enqueue_dma source(%dma_start3A_198 : memref<1x4x4096xf32, #tpu.memory_space<vmem>>) target(%dma_start3A_193 : memref<1x4x4096xf32, #tpu.memory_space<hbm>>) target_semaphore(%arg15 : memref<!tpu.dma_semaphore, #tpu.memory_space<semaphore_mem>>)
    %dma_wait3A_199 = arith.constant 255 : i32
    %dma_wait3A_200 = arith.constant 0 : i32
    %dma_wait3A_201 = arith.constant 3 : i32
    %dma_wait3A_202 = arith.constant 0 : i32
    %dma_wait3A_203 = arith.constant 0 : i32
    %dma_wait3A_204 = arith.constant 0 : i32
    %dma_wait3A_205 = tpu.memref_slice %arg6[%dma_wait3A_201, %dma_wait3A_202, %dma_wait3A_203, %dma_wait3A_204] : memref<6x1x4x4096xf32, #tpu.memory_space<vmem>> -> memref<1x1x4x4096xf32, #tpu.memory_space<vmem>>
    %dma_wait3A_206 = tpu.memref_squeeze %dma_wait3A_205 : memref<1x1x4x4096xf32, #tpu.memory_space<vmem>> -> memref<4x4096xf32, #tpu.memory_space<vmem>>
    %dma_wait3A_207 = arith.constant 0 : i32
    %dma_wait3A_208 = tpu.memref_slice %arg5[%dma_wait3A_199, %dma_wait3A_200, %dma_wait3A_207] : memref<256x1x4xi32, #tpu.memory_space<vmem>> -> memref<1x1x4xi32, #tpu.memory_space<vmem>>
    %dma_wait3A_209 = tpu.memref_squeeze %dma_wait3A_208 : memref<1x1x4xi32, #tpu.memory_space<vmem>> -> memref<4xi32, #tpu.memory_space<vmem>>
    %dma_wait3A_210 = arith.constant 0 : i32
    %dma_wait3A_211 = arith.constant 0 : i32
    %dma_wait3A_212 = tpu.memref_slice %arg3[%dma_wait3A_210, %dma_wait3A_211] : memref<65024x4096xf32, #tpu.memory_space<hbm>> -> memref<65024x4096xf32, #tpu.memory_space<hbm>>
    tpu.wait_indirect_dma semaphore(%arg10 : memref<!tpu.dma_semaphore, #tpu.memory_space<semaphore_mem>>) src(%dma_wait3A_212 : memref<65024x4096xf32, #tpu.memory_space<hbm>>) dst(%dma_wait3A_206 : memref<4x4096xf32, #tpu.memory_space<vmem>>)
    %add3A_213 = arith.constant 255 : i32
    %add3A_214 = arith.addi %mul3A_2, %add3A_213 : i32
    %dma_start3A_215 = arith.constant 3 : i32
    %dma_start3A_216 = arith.constant 0 : i32
    %dma_start3A_217 = arith.constant 0 : i32
    %dma_start3A_218 = arith.constant 0 : i32
    %dma_start3A_219 = tpu.memref_slice %arg6[%dma_start3A_215, %dma_start3A_216, %dma_start3A_217, %dma_start3A_218] : memref<6x1x4x4096xf32, #tpu.memory_space<vmem>> -> memref<1x1x4x4096xf32, #tpu.memory_space<vmem>>
    %dma_start3A_220 = tpu.memref_squeeze %dma_start3A_219 : memref<1x1x4x4096xf32, #tpu.memory_space<vmem>> -> memref<1x4x4096xf32, #tpu.memory_space<vmem>>
    %dma_start3A_221 = arith.constant 0 : i32
    %dma_start3A_222 = arith.constant 0 : i32
    %dma_start3A_223 = tpu.memref_slice %arg4[%add3A_214, %dma_start3A_221, %dma_start3A_222] : memref<8192x4x4096xf32, #tpu.memory_space<hbm>> -> memref<1x4x4096xf32, #tpu.memory_space<hbm>>
    %dma_start3A_224 = arith.constant 0 : i32
    %dma_start3A_225 = arith.constant 0 : i32
    %dma_start3A_226 = tpu.memref_slice %arg4[%add3A_214, %dma_start3A_224, %dma_start3A_225] : memref<8192x4x4096xf32, #tpu.memory_space<hbm>> -> memref<1x4x4096xf32, #tpu.memory_space<hbm>>
    %dma_start3A_227 = arith.constant 0 : i32
    %dma_start3A_228 = arith.constant 0 : i32
    %dma_start3A_229 = arith.constant 0 : i32
    %dma_start3A_230 = tpu.memref_slice %arg6[%dma_start3A_215, %dma_start3A_227, %dma_start3A_228, %dma_start3A_229] : memref<6x1x4x4096xf32, #tpu.memory_space<vmem>> -> memref<1x1x4x4096xf32, #tpu.memory_space<vmem>>
    %dma_start3A_231 = tpu.memref_squeeze %dma_start3A_230 : memref<1x1x4x4096xf32, #tpu.memory_space<vmem>> -> memref<1x4x4096xf32, #tpu.memory_space<vmem>>
    tpu.enqueue_dma source(%dma_start3A_231 : memref<1x4x4096xf32, #tpu.memory_space<vmem>>) target(%dma_start3A_226 : memref<1x4x4096xf32, #tpu.memory_space<hbm>>) target_semaphore(%arg16 : memref<!tpu.dma_semaphore, #tpu.memory_space<semaphore_mem>>)
    %add3A_232 = arith.constant 250 : i32
    %add3A_233 = arith.addi %mul3A_2, %add3A_232 : i32
    %dma_wait3A_234 = arith.constant 4 : i32
    %dma_wait3A_235 = arith.constant 0 : i32
    %dma_wait3A_236 = arith.constant 0 : i32
    %dma_wait3A_237 = arith.constant 0 : i32
    %dma_wait3A_238 = tpu.memref_slice %arg6[%dma_wait3A_234, %dma_wait3A_235, %dma_wait3A_236, %dma_wait3A_237] : memref<6x1x4x4096xf32, #tpu.memory_space<vmem>> -> memref<1x1x4x4096xf32, #tpu.memory_space<vmem>>
    %dma_wait3A_239 = tpu.memref_squeeze %dma_wait3A_238 : memref<1x1x4x4096xf32, #tpu.memory_space<vmem>> -> memref<1x4x4096xf32, #tpu.memory_space<vmem>>
    %dma_wait3A_240 = arith.constant 0 : i32
    %dma_wait3A_241 = arith.constant 0 : i32
    %dma_wait3A_242 = tpu.memref_slice %arg4[%add3A_233, %dma_wait3A_240, %dma_wait3A_241] : memref<8192x4x4096xf32, #tpu.memory_space<hbm>> -> memref<1x4x4096xf32, #tpu.memory_space<hbm>>
    %dma_wait3A_243 = arith.constant 0 : i32
    %dma_wait3A_244 = arith.constant 0 : i32
    %dma_wait3A_245 = tpu.memref_slice %arg4[%add3A_233, %dma_wait3A_243, %dma_wait3A_244] : memref<8192x4x4096xf32, #tpu.memory_space<hbm>> -> memref<1x4x4096xf32, #tpu.memory_space<hbm>>
    %dma_wait3A_246 = arith.constant 0 : i32
    %dma_wait3A_247 = arith.constant 0 : i32
    %dma_wait3A_248 = arith.constant 0 : i32
    %dma_wait3A_249 = tpu.memref_slice %arg6[%dma_wait3A_234, %dma_wait3A_246, %dma_wait3A_247, %dma_wait3A_248] : memref<6x1x4x4096xf32, #tpu.memory_space<vmem>> -> memref<1x1x4x4096xf32, #tpu.memory_space<vmem>>
    %dma_wait3A_250 = tpu.memref_squeeze %dma_wait3A_249 : memref<1x1x4x4096xf32, #tpu.memory_space<vmem>> -> memref<1x4x4096xf32, #tpu.memory_space<vmem>>
    tpu.wait_dma2 semaphore(%arg17 : memref<!tpu.dma_semaphore, #tpu.memory_space<semaphore_mem>>) src(%dma_wait3A_250 : memref<1x4x4096xf32, #tpu.memory_space<vmem>>) dst(%dma_wait3A_245 : memref<1x4x4096xf32, #tpu.memory_space<hbm>>)
    %add3A_251 = arith.constant 251 : i32
    %add3A_252 = arith.addi %mul3A_2, %add3A_251 : i32
    %dma_wait3A_253 = arith.constant 5 : i32
    %dma_wait3A_254 = arith.constant 0 : i32
    %dma_wait3A_255 = arith.constant 0 : i32
    %dma_wait3A_256 = arith.constant 0 : i32
    %dma_wait3A_257 = tpu.memref_slice %arg6[%dma_wait3A_253, %dma_wait3A_254, %dma_wait3A_255, %dma_wait3A_256] : memref<6x1x4x4096xf32, #tpu.memory_space<vmem>> -> memref<1x1x4x4096xf32, #tpu.memory_space<vmem>>
    %dma_wait3A_258 = tpu.memref_squeeze %dma_wait3A_257 : memref<1x1x4x4096xf32, #tpu.memory_space<vmem>> -> memref<1x4x4096xf32, #tpu.memory_space<vmem>>
    %dma_wait3A_259 = arith.constant 0 : i32
    %dma_wait3A_260 = arith.constant 0 : i32
    %dma_wait3A_261 = tpu.memref_slice %arg4[%add3A_252, %dma_wait3A_259, %dma_wait3A_260] : memref<8192x4x4096xf32, #tpu.memory_space<hbm>> -> memref<1x4x4096xf32, #tpu.memory_space<hbm>>
    %dma_wait3A_262 = arith.constant 0 : i32
    %dma_wait3A_263 = arith.constant 0 : i32
    %dma_wait3A_264 = tpu.memref_slice %arg4[%add3A_252, %dma_wait3A_262, %dma_wait3A_263] : memref<8192x4x4096xf32, #tpu.memory_space<hbm>> -> memref<1x4x4096xf32, #tpu.memory_space<hbm>>
    %dma_wait3A_265 = arith.constant 0 : i32
    %dma_wait3A_266 = arith.constant 0 : i32
    %dma_wait3A_267 = arith.constant 0 : i32
    %dma_wait3A_268 = tpu.memref_slice %arg6[%dma_wait3A_253, %dma_wait3A_265, %dma_wait3A_266, %dma_wait3A_267] : memref<6x1x4x4096xf32, #tpu.memory_space<vmem>> -> memref<1x1x4x4096xf32, #tpu.memory_space<vmem>>
    %dma_wait3A_269 = tpu.memref_squeeze %dma_wait3A_268 : memref<1x1x4x4096xf32, #tpu.memory_space<vmem>> -> memref<1x4x4096xf32, #tpu.memory_space<vmem>>
    tpu.wait_dma2 semaphore(%arg18 : memref<!tpu.dma_semaphore, #tpu.memory_space<semaphore_mem>>) src(%dma_wait3A_269 : memref<1x4x4096xf32, #tpu.memory_space<vmem>>) dst(%dma_wait3A_264 : memref<1x4x4096xf32, #tpu.memory_space<hbm>>)
    %add3A_270 = arith.constant 252 : i32
    %add3A_271 = arith.addi %mul3A_2, %add3A_270 : i32
    %dma_wait3A_272 = arith.constant 0 : i32
    %dma_wait3A_273 = arith.constant 0 : i32
    %dma_wait3A_274 = arith.constant 0 : i32
    %dma_wait3A_275 = arith.constant 0 : i32
    %dma_wait3A_276 = tpu.memref_slice %arg6[%dma_wait3A_272, %dma_wait3A_273, %dma_wait3A_274, %dma_wait3A_275] : memref<6x1x4x4096xf32, #tpu.memory_space<vmem>> -> memref<1x1x4x4096xf32, #tpu.memory_space<vmem>>
    %dma_wait3A_277 = tpu.memref_squeeze %dma_wait3A_276 : memref<1x1x4x4096xf32, #tpu.memory_space<vmem>> -> memref<1x4x4096xf32, #tpu.memory_space<vmem>>
    %dma_wait3A_278 = arith.constant 0 : i32
    %dma_wait3A_279 = arith.constant 0 : i32
    %dma_wait3A_280 = tpu.memref_slice %arg4[%add3A_271, %dma_wait3A_278, %dma_wait3A_279] : memref<8192x4x4096xf32, #tpu.memory_space<hbm>> -> memref<1x4x4096xf32, #tpu.memory_space<hbm>>
    %dma_wait3A_281 = arith.constant 0 : i32
    %dma_wait3A_282 = arith.constant 0 : i32
    %dma_wait3A_283 = tpu.memref_slice %arg4[%add3A_271, %dma_wait3A_281, %dma_wait3A_282] : memref<8192x4x4096xf32, #tpu.memory_space<hbm>> -> memref<1x4x4096xf32, #tpu.memory_space<hbm>>
    %dma_wait3A_284 = arith.constant 0 : i32
    %dma_wait3A_285 = arith.constant 0 : i32
    %dma_wait3A_286 = arith.constant 0 : i32
    %dma_wait3A_287 = tpu.memref_slice %arg6[%dma_wait3A_272, %dma_wait3A_284, %dma_wait3A_285, %dma_wait3A_286] : memref<6x1x4x4096xf32, #tpu.memory_space<vmem>> -> memref<1x1x4x4096xf32, #tpu.memory_space<vmem>>
    %dma_wait3A_288 = tpu.memref_squeeze %dma_wait3A_287 : memref<1x1x4x4096xf32, #tpu.memory_space<vmem>> -> memref<1x4x4096xf32, #tpu.memory_space<vmem>>
    tpu.wait_dma2 semaphore(%arg13 : memref<!tpu.dma_semaphore, #tpu.memory_space<semaphore_mem>>) src(%dma_wait3A_288 : memref<1x4x4096xf32, #tpu.memory_space<vmem>>) dst(%dma_wait3A_283 : memref<1x4x4096xf32, #tpu.memory_space<hbm>>)
    %add3A_289 = arith.constant 253 : i32
    %add3A_290 = arith.addi %mul3A_2, %add3A_289 : i32
    %dma_wait3A_291 = arith.constant 1 : i32
    %dma_wait3A_292 = arith.constant 0 : i32
    %dma_wait3A_293 = arith.constant 0 : i32
    %dma_wait3A_294 = arith.constant 0 : i32
    %dma_wait3A_295 = tpu.memref_slice %arg6[%dma_wait3A_291, %dma_wait3A_292, %dma_wait3A_293, %dma_wait3A_294] : memref<6x1x4x4096xf32, #tpu.memory_space<vmem>> -> memref<1x1x4x4096xf32, #tpu.memory_space<vmem>>
    %dma_wait3A_296 = tpu.memref_squeeze %dma_wait3A_295 : memref<1x1x4x4096xf32, #tpu.memory_space<vmem>> -> memref<1x4x4096xf32, #tpu.memory_space<vmem>>
    %dma_wait3A_297 = arith.constant 0 : i32
    %dma_wait3A_298 = arith.constant 0 : i32
    %dma_wait3A_299 = tpu.memref_slice %arg4[%add3A_290, %dma_wait3A_297, %dma_wait3A_298] : memref<8192x4x4096xf32, #tpu.memory_space<hbm>> -> memref<1x4x4096xf32, #tpu.memory_space<hbm>>
    %dma_wait3A_300 = arith.constant 0 : i32
    %dma_wait3A_301 = arith.constant 0 : i32
    %dma_wait3A_302 = tpu.memref_slice %arg4[%add3A_290, %dma_wait3A_300, %dma_wait3A_301] : memref<8192x4x4096xf32, #tpu.memory_space<hbm>> -> memref<1x4x4096xf32, #tpu.memory_space<hbm>>
    %dma_wait3A_303 = arith.constant 0 : i32
    %dma_wait3A_304 = arith.constant 0 : i32
    %dma_wait3A_305 = arith.constant 0 : i32
    %dma_wait3A_306 = tpu.memref_slice %arg6[%dma_wait3A_291, %dma_wait3A_303, %dma_wait3A_304, %dma_wait3A_305] : memref<6x1x4x4096xf32, #tpu.memory_space<vmem>> -> memref<1x1x4x4096xf32, #tpu.memory_space<vmem>>
    %dma_wait3A_307 = tpu.memref_squeeze %dma_wait3A_306 : memref<1x1x4x4096xf32, #tpu.memory_space<vmem>> -> memref<1x4x4096xf32, #tpu.memory_space<vmem>>
    tpu.wait_dma2 semaphore(%arg14 : memref<!tpu.dma_semaphore, #tpu.memory_space<semaphore_mem>>) src(%dma_wait3A_307 : memref<1x4x4096xf32, #tpu.memory_space<vmem>>) dst(%dma_wait3A_302 : memref<1x4x4096xf32, #tpu.memory_space<hbm>>)
    %add3A_308 = arith.constant 254 : i32
    %add3A_309 = arith.addi %mul3A_2, %add3A_308 : i32
    %dma_wait3A_310 = arith.constant 2 : i32
    %dma_wait3A_311 = arith.constant 0 : i32
    %dma_wait3A_312 = arith.constant 0 : i32
    %dma_wait3A_313 = arith.constant 0 : i32
    %dma_wait3A_314 = tpu.memref_slice %arg6[%dma_wait3A_310, %dma_wait3A_311, %dma_wait3A_312, %dma_wait3A_313] : memref<6x1x4x4096xf32, #tpu.memory_space<vmem>> -> memref<1x1x4x4096xf32, #tpu.memory_space<vmem>>
    %dma_wait3A_315 = tpu.memref_squeeze %dma_wait3A_314 : memref<1x1x4x4096xf32, #tpu.memory_space<vmem>> -> memref<1x4x4096xf32, #tpu.memory_space<vmem>>
    %dma_wait3A_316 = arith.constant 0 : i32
    %dma_wait3A_317 = arith.constant 0 : i32
    %dma_wait3A_318 = tpu.memref_slice %arg4[%add3A_309, %dma_wait3A_316, %dma_wait3A_317] : memref<8192x4x4096xf32, #tpu.memory_space<hbm>> -> memref<1x4x4096xf32, #tpu.memory_space<hbm>>
    %dma_wait3A_319 = arith.constant 0 : i32
    %dma_wait3A_320 = arith.constant 0 : i32
    %dma_wait3A_321 = tpu.memref_slice %arg4[%add3A_309, %dma_wait3A_319, %dma_wait3A_320] : memref<8192x4x4096xf32, #tpu.memory_space<hbm>> -> memref<1x4x4096xf32, #tpu.memory_space<hbm>>
    %dma_wait3A_322 = arith.constant 0 : i32
    %dma_wait3A_323 = arith.constant 0 : i32
    %dma_wait3A_324 = arith.constant 0 : i32
    %dma_wait3A_325 = tpu.memref_slice %arg6[%dma_wait3A_310, %dma_wait3A_322, %dma_wait3A_323, %dma_wait3A_324] : memref<6x1x4x4096xf32, #tpu.memory_space<vmem>> -> memref<1x1x4x4096xf32, #tpu.memory_space<vmem>>
    %dma_wait3A_326 = tpu.memref_squeeze %dma_wait3A_325 : memref<1x1x4x4096xf32, #tpu.memory_space<vmem>> -> memref<1x4x4096xf32, #tpu.memory_space<vmem>>
    tpu.wait_dma2 semaphore(%arg15 : memref<!tpu.dma_semaphore, #tpu.memory_space<semaphore_mem>>) src(%dma_wait3A_326 : memref<1x4x4096xf32, #tpu.memory_space<vmem>>) dst(%dma_wait3A_321 : memref<1x4x4096xf32, #tpu.memory_space<hbm>>)
    %add3A_327 = arith.constant 255 : i32
    %add3A_328 = arith.addi %mul3A_2, %add3A_327 : i32
    %dma_wait3A_329 = arith.constant 3 : i32
    %dma_wait3A_330 = arith.constant 0 : i32
    %dma_wait3A_331 = arith.constant 0 : i32
    %dma_wait3A_332 = arith.constant 0 : i32
    %dma_wait3A_333 = tpu.memref_slice %arg6[%dma_wait3A_329, %dma_wait3A_330, %dma_wait3A_331, %dma_wait3A_332] : memref<6x1x4x4096xf32, #tpu.memory_space<vmem>> -> memref<1x1x4x4096xf32, #tpu.memory_space<vmem>>
    %dma_wait3A_334 = tpu.memref_squeeze %dma_wait3A_333 : memref<1x1x4x4096xf32, #tpu.memory_space<vmem>> -> memref<1x4x4096xf32, #tpu.memory_space<vmem>>
    %dma_wait3A_335 = arith.constant 0 : i32
    %dma_wait3A_336 = arith.constant 0 : i32
    %dma_wait3A_337 = tpu.memref_slice %arg4[%add3A_328, %dma_wait3A_335, %dma_wait3A_336] : memref<8192x4x4096xf32, #tpu.memory_space<hbm>> -> memref<1x4x4096xf32, #tpu.memory_space<hbm>>
    %dma_wait3A_338 = arith.constant 0 : i32
    %dma_wait3A_339 = arith.constant 0 : i32
    %dma_wait3A_340 = tpu.memref_slice %arg4[%add3A_328, %dma_wait3A_338, %dma_wait3A_339] : memref<8192x4x4096xf32, #tpu.memory_space<hbm>> -> memref<1x4x4096xf32, #tpu.memory_space<hbm>>
    %dma_wait3A_341 = arith.constant 0 : i32
    %dma_wait3A_342 = arith.constant 0 : i32
    %dma_wait3A_343 = arith.constant 0 : i32
    %dma_wait3A_344 = tpu.memref_slice %arg6[%dma_wait3A_329, %dma_wait3A_341, %dma_wait3A_342, %dma_wait3A_343] : memref<6x1x4x4096xf32, #tpu.memory_space<vmem>> -> memref<1x1x4x4096xf32, #tpu.memory_space<vmem>>
    %dma_wait3A_345 = tpu.memref_squeeze %dma_wait3A_344 : memref<1x1x4x4096xf32, #tpu.memory_space<vmem>> -> memref<1x4x4096xf32, #tpu.memory_space<vmem>>
    tpu.wait_dma2 semaphore(%arg16 : memref<!tpu.dma_semaphore, #tpu.memory_space<semaphore_mem>>) src(%dma_wait3A_345 : memref<1x4x4096xf32, #tpu.memory_space<vmem>>) dst(%dma_wait3A_340 : memref<1x4x4096xf32, #tpu.memory_space<hbm>>)
    return
  }
}

</mosaic_0001>

<sc_bundles>
// kernel: kernel.3.cloned.1.call-start
scs
__scs_entry_jumppad:
0x0: {  	(pc) =	sbr.rel $0x88, $3  }
0x1: {  	(tag) =	ssettag $0x0;
	lr =	simm.s32 $0x1  }
0x2: {  	[smem:$0x3F9F] =	sst lr;
	_ =	strace $0xD0000000  }
0x3: {  	_ = 	snop  }
0x4: {  	_ = 	snop  }
0x5: {  	_ = 	snop  }
0x6: {  	_ = 	snop  }
0x7: {  	_ = 	snop  }
__scs_overlays_trampoline_lowered:
0x8: {  	[smem:$0x3FAE] =	sst s0  }
0x9: {  	[smem:$0x3FAF] =	sst s1  }
0xa: {  	[smem:$0x3FB0] =	sst s2  }
0xb: {  	[smem:$0x3FB1] =	sst s3  }
0xc: {  	[smem:$0x3FB2] =	sst s4  }
0xd: {  	[smem:$0x3FB3] =	sst s5  }
0xe: {  	[smem:$0x3FB4] =	sst s6  }
0xf: {  	[smem:$0x3FB5] =	sst s7  }
0x10: {  	[smem:$0x3FB6] =	sst s8  }
0x11: {  	[smem:$0x3FB7] =	sst s9;
	s0 =	simm.s32 @!p0 $0x0  }
0x12: {  	s1 =	sld [smem:$0x3F9D];
	s0 =	simm.s32 @p0 $0x1  }
0x13: {  	[smem:$0x3FB8] =	sst s0;
	s0 =	simm.s32 @!p1 $0x0  }
0x14: {  	s2 =	sld [smem:$0x3F9C];
	s0 =	simm.s32 @p1 $0x1  }
0x15: {  	[smem:$0x3FB9] =	sst s0;
	s0 =	simm.s32 @!p2 $0x0  }
0x16: {  	s3 =	sld [smem:$0x3FDB];
	s0 =	simm.s32 @p2 $0x1  }
0x17: {  	s4 =	simm.s32 $0x1BF5;
	[smem:$0x3FBB] =	sst s0  }
0x18: {  	s0 =	sld [smem:$0x3F9E];
	_ =	swait.ge [sflag:s4], $0x0  }
0x19: {  	s7 =	sld [smem:$0x3F9F]  }
0x1a: {  	s8 =	sadd.s32 $0xFFFFE003, lr  }
0x1b: {  	s9 =	sadd.s32 $0xFFFFFEF7, lr;
	s5 =	simm.s32 $0xFFFFFFFF;
	p2 =	slt.u32 s8, $0xFFFFF086  }
0x1c: {  	p1 =	slt.u32 s9, $0xF7A;
	s5 =	simm.s32 @!p2 $0x0  }
0x1d: {  	s5 =	simm.s32 @p1 $0x1;
	p0 =	seq.s32 s7, s2  }
0x1e: {  	s7 =	smul.u32 @!p0 $0xF7A, s2;
	p2 =	seq.s32 @!p0 s5, $0x0  }
0x1f: {  	s9 =	smul.u32 $0xF7A, s1;
	s8 =	simm.s32 @!p0 $0x1BF5;
	p2 =	por !p2, p0  }
0x20: {  	[sflag:s8] =	ssyncset.s32 @!p0 $0xFFFFF086;
	s6 =	sadd.s32 @!p0 s3, s7;
	s7 =	simm.s32 @!p0 $0x108  }
0x21: {  	s3 =	sadd.s32 s3, s9;
	s6 =	sadd.s32 @!p0 $0x88, s6;
	s7 =	simm.s32 @p2 $0x1082  }
0x22: {  	[simem:s7], [sflag:s8] =	dma.local @!p0 [hbm:s6], $0xF7A  }
0x23: {  	s9 =	sor.u32 $0xD0000000, s2;
	s6 =	simm.s32 $0x108;
	_ =	swait.ge @!p0 [sflag:s8], $0x0  }
0x24: {  	s3 =	sadd.s32 $0x88, s3;
	s6 =	simm.s32 @!p1 $0x1082;
	[sflag:s4] =	ssyncset.s32 $0xFFFFF086  }
0x25: {  	[simem:s6], [sflag:s4] =	dma.local [hbm:s3], $0xF7A  }
0x26: {  	[smem:$0x3F9F] =	sst s1;
	(tag) =	ssettag s2;
	_ =	strace s9  }
0x27: {  	s1 =	sld [smem:$0x3FAF]  }
0x28: {  	s2 =	sld [smem:$0x3FB0]  }
0x29: {  	s4 =	sld [smem:$0x3FB2]  }
0x2a: {  	p0 =	seq.s32 s5, $0x0;
	s5 =	sld [smem:$0x3FB3]  }
0x2b: {  	s6 =	sld [smem:$0x3FB4]  }
0x2c: {  	s7 =	sld [smem:$0x3FB5]  }
0x2d: {  	s3 =	simm.s32 $0x108;
	s8 =	sld [smem:$0x3FB6]  }
0x2e: {  	s3 =	simm.s32 @!p0 $0x1082;
	s9 =	sld [smem:$0x3FB7]  }
0x2f: {  	lr =	sadd.s32 s0, s3;
	s0 =	sld [smem:$0x3FAE]  }
0x30: {  	s3 =	sld [smem:$0x3FB1]  }
0x31: {  	[smem:$0x3FBA] =	sst s10  }
0x32: {  	s10 =	sld [smem:$0x3FB8];
	_ =	sdelay $0x3  }
0x33: {  	p0 =	seq.s32 s10, $0x1;
	s10 =	sld [smem:$0x3FBA];
	_ =	sdelay $0x3  }
0x34: {  	[smem:$0x3FBA] =	sst s10  }
0x35: {  	s10 =	sld [smem:$0x3FB9];
	_ =	sdelay $0x3  }
0x36: {  	p1 =	seq.s32 s10, $0x1;
	s10 =	sld [smem:$0x3FBA];
	_ =	sdelay $0x3  }
0x37: {  	[smem:$0x3FBA] =	sst s10  }
0x38: {  	s10 =	sld [smem:$0x3FBB]  }
0x39: {  	_ = 	snop;
	(pc) =	sbr.ind lr, $3  }
0x3a: {  	_ = 	snop  }
0x3b: {  	_ = 	snop  }
0x3c: {  	p2 =	seq.s32 s10, $0x1;
	s10 =	sld [smem:$0x3FBA]  }
0x3d: {  	_ =	shalt  }
0x3e: {  	_ =	shalt  }
0x3f: {  	_ =	shalt  }
0x40: {  	_ =	shalt  }
0x41: {  	_ =	shalt  }
0x42: {  	_ =	shalt  }
0x43: {  	_ =	shalt  }
0x44: {  	_ =	shalt  }
0x45: {  	_ =	shalt  }
0x46: {  	_ =	shalt  }
0x47: {  	_ =	shalt  }
0x48: {  	_ =	shalt  }
0x49: {  	_ =	shalt  }
0x4a: {  	_ =	shalt  }
0x4b: {  	_ =	shalt  }
0x4c: {  	_ =	shalt  }
0x4d: {  	_ =	shalt  }
0x4e: {  	_ =	shalt  }
0x4f: {  	_ =	shalt  }
0x50: {  	_ =	shalt  }
0x51: {  	_ =	shalt  }
0x52: {  	_ =	shalt  }
0x53: {  	_ =	shalt  }
0x54: {  	_ =	shalt  }
0x55: {  	_ =	shalt  }
0x56: {  	_ =	shalt  }
0x57: {  	_ =	shalt  }
0x58: {  	_ =	shalt  }
0x59: {  	_ =	shalt  }
0x5a: {  	_ =	shalt  }
0x5b: {  	_ =	shalt  }
0x5c: {  	_ =	shalt  }
0x5d: {  	_ =	shalt  }
0x5e: {  	_ =	shalt  }
0x5f: {  	_ =	shalt  }
0x60: {  	_ =	shalt  }
0x61: {  	_ =	shalt  }
0x62: {  	_ =	shalt  }
0x63: {  	_ =	shalt  }
0x64: {  	_ =	shalt  }
0x65: {  	_ =	shalt  }
0x66: {  	_ =	shalt  }
0x67: {  	_ =	shalt  }
0x68: {  	_ =	shalt  }
0x69: {  	_ =	shalt  }
0x6a: {  	_ =	shalt  }
0x6b: {  	_ =	shalt  }
0x6c: {  	_ =	shalt  }
0x6d: {  	_ =	shalt  }
0x6e: {  	_ =	shalt  }
0x6f: {  	_ =	shalt  }
0x70: {  	_ =	shalt  }
0x71: {  	_ =	shalt  }
0x72: {  	_ =	shalt  }
0x73: {  	_ =	shalt  }
0x74: {  	_ =	shalt  }
0x75: {  	_ =	shalt  }
0x76: {  	_ =	shalt  }
0x77: {  	_ =	shalt  }
0x78: {  	_ =	shalt  }
0x79: {  	_ =	shalt  }
0x7a: {  	_ =	shalt  }
0x7b: {  	_ =	shalt  }
0x7c: {  	_ =	shalt  }
0x7d: {  	_ =	shalt  }
0x7e: {  	_ =	shalt  }
0x7f: {  	_ =	shalt  }
0x80: {  	_ =	shalt  }
0x81: {  	_ =	shalt  }
0x82: {  	_ =	shalt  }
0x83: {  	_ =	shalt  }
0x84: {  	_ =	shalt  }
0x85: {  	_ =	shalt  }
0x86: {  	_ =	shalt  }
0x87: {  	_ =	shalt  }
.Lfunc_end0:
.L_simem_size_0:
called_computation_lowered:
.L_overlay_start_0:
0x88: {  	s2 =	sld [smem:$0x3FD9]  }
0x89: {  	s3 =	sld [smem:$0x3FFE];
	_ =	sdelay $0x1  }
0x8a: {  	s1 =	srdreg.scid  }
0x8b: {  	s0 =	sand.u32 $0x1, s1  }
0x8c: {  	s17 =	sshll.u32 s0, $0xA;
	s2 =	sadd.s32 s3, s2  }
0x8d: {  	s2 =	sadd.s32 s2, s17  }
0x8e: {  	[smem:$0x3FC6] =	sst s2  }
0x8f: {  	_ = 	snop  }
0x90: {  	s2 =	sld [smem:$0x3FC8]  }
0x91: {  	s18 =	sld [smem:$0x3FD0];
	(tm) =	ssettm $0x1  }
0x92: {  	s4 =	sld [smem:$0x3FFB];
	_ =	sdelay $0x3  }
0x93: {  	_ =	strace s4  }
0x94: {  	s4 =	sld [smem:$0x3FFC];
	_ =	sdelay $0x3  }
0x95: {  	_ =	strace s4  }
0x96: {  	s4 =	sld [smem:$0x3FFD];
	_ =	sdelay $0x3  }
0x97: {  	_ =	strace s4  }
0x98: {  	_ =	strace $0x8FFFFFFF  }
0x99: {  	s19 =	sld [smem:$0x3FDB];
	_ =	sdelay $0x1  }
0x9a: {  	s5 =	simm.s32 $_scs_section_size  }
0x9b: {  	s6 =	simm.s32 $_size__tile_overlayer_lowered;
	s7 =	simm.s32 $_tile_overlayer_lowered  }
0x9c: {  	s22 =	simm.s32 $0x1BFF;
	s21 =	sshll.u32 s7, $0x1;
	s4 =	sadd.s32 s5, s19  }
0x9d: {  	s8 =	simm.s32 $0x0;
	s20 =	sshll.u32 s6, $0x1;
	s6 =	sadd.s32 s21, s4  }
0x9e: {  	[timem:s8], [sflag:s22] =	dma.local [hbm:s6], s20  }
0x9f: {  	_ =	swait.ge [sflag:s22], s20  }
0xa0: {  	s5 =	ssub.s32 $0x0, s20;
	[sflag:s22] =	ssyncset.done $0x0  }
0xa1: {  	[sflag:s22] =	ssyncadd.s32 s5;
	_ =	sdelay $0x1  }
0xa2: {  	s23 =	simm.s32 $0x1B8B  }
0xa3: {  	_ =	swait.ge [sflag:s23], $0x1  }
0xa4: {  	[sflag:s23] =	ssyncset.done $0x0  }
0xa5: {  	s25 =	simm.s32 $0x1B8E;
	s24 =	sld [smem:$0x3FFE];
	[sflag:s23] =	ssyncadd.s32 $0xFFFFFFFF  }
0xa6: {  	s26 =	simm.s32 $execute0_lowered;
	[smem:$0x3FD2] =	sst s25  }
0xa7: {  	s6 =	sshll.u32 s26, $0x1;
	_ =	strace $0x80000046;
	[dreg:$0x1] =	wrdreg $0xFFFFFFFF  }
0xa8: {  	s28 =	simm.s32 $_size_execute0_lowered;
	s4 =	sadd.s32 s4, s6;
	[dreg:$0x0] =	wrdreg $0x0  }
0xa9: {  	s6 =	sshll.u32 s28, $0x1;
	[dreg:$0x2] =	wrdreg s4  }
0xaa: {  	[dreg:$0x3] =	wrdreg s6  }
0xab: {  	[dreg:$0x4] =	wrdreg $0xC0  }
0xac: {  	_ =	task [dreg:s8], $0x5FFFF  }
0xad: {  	[dreg:$0x1] =	wrdreg $0xFFFFFFFF  }
0xae: {  	[dreg:$0x0] =	wrdreg $0x60  }
0xaf: {  	[dreg:$0x2] =	wrdreg s24  }
0xb0: {  	[dreg:$0x3] =	wrdreg s2  }
0xb1: {  	[dreg:$0x4] =	wrdreg s18  }
0xb2: {  	[dreg:$0x5] =	wrdreg $0x9  }
0xb3: {  	_ =	task.clear_ibuf [dreg:s8], $0x6FFFF;
	_ =	strace $0x90000046  }
0xb4: {  	s29 =	simm.s32 $0x9;
	_ =	strace $0x80000048  }
0xb5: {  	_ =	swait.ge [sflag:s29], $0x1  }
0xb6: {  	[sflag:s29] =	ssyncadd.s32 $0xFFFFFFFF  }
0xb7: {  	_ =	strace $0x90000048  }
0xb8: {  	_ =	sfence  }
0xb9: {  	s30 =	sld [smem:$0x0];
	_ =	sdelay $0x2  }
0xba: {  	s31 =	sshll.u32 s1, $0xD;
	s1 =	sshrl.u32 s1, $0x2  }
0xbb: {  	s3 =	sand.u32 $0x4000, s31;
	s1 =	sadd.s32 s1, s30  }
0xbc: {  	s0 =	sor.u32 s3, s0;
	s1 =	sshll.u32 s1, $0x11  }
0xbd: {  	s0 =	sor.u32 s1, s0  }
0xbe: {  	s0 =	sadd.s32 $0x8F2B, s0  }
0xbf: {  	[sflag:s0] =	ssyncadd.remote.s32 $0x1  }
0xc0: {  	_ =	sfence.sel $0xFFFF  }
0xc1: {  	[dreg:$0x0] =	wrdreg $0xFFFFFFFF;
	(pc) =	sbr.abs _section_cstart, $3  }
0xc2: {  	[dreg:$0x1] =	wrdreg $0xFFFFFFFF  }
0xc3: {  	_ =	task.clear_ibuf [dreg:s8], $0x2FFFF;
	_ =	strace $0x9FFFFFFF  }
0xc4: {  	(tm) =	ssettm $0x7FFFFFFF  }
0xc5: {  	_ =	shalt  }
tec
execute0_lowered:
.L_overlay_start_1:
0x0: {  	(tag) =	ssettag $0x1  }
0x1: {  	s0 =	rddreg [dreg:$0x0]  }
0x2: {  	s1 =	rddreg [dreg:$0x1]  }
0x3: {  	s2 =	srdreg.scid;
	s4 =	rddreg [dreg:$0x2]  }
0x4: {  	s8 =	stileid.u32;
	s3 =	simm.s32 $0x0;
	s22 =	simm.s32 $0x18800  }
0x5: {  	s23 =	simm.s32 $0x19000;
	s24 =	simm.s32 $0x19800;
	s26 =	simm.s32 $0x1A000  }
0x6: {  	s15 =	simm.s32 $0x1B000;
	s31 =	simm.s32 $0x8800;
	s29 =	simm.s32 $0xB000  }
0x7: {  	s30 =	simm.s32 $0xB800;
	s28 =	simm.s32 $0xC000;
	[smem:$0x7FF] =	sst s3  }
0x8: {  	s2 =	sand.u32 $0x1, s2;
	_ =	strace $0x80000047;
	[dreg:$0x7] =	wrdreg s22  }
0x9: {  	s19 =	sshll.u32 s8, $0x13;
	s10 =	sadd.s32 $0xA00, s1;
	[dreg:$0x8] =	wrdreg s23  }
0xa: {  	s11 =	sadd.s32 $0xC00, s1;
	s5 =	sshll.u32 s2, $0x4;
	[dreg:$0x9] =	wrdreg s24  }
0xb: {  	s17 =	ssub.s32 $0x2, s2;
	s18 =	sshll.u32 s2, $0x17;
	[dreg:$0xa] =	wrdreg s26  }
0xc: {  	[dreg:$0xc] =	wrdreg s15;
	s22 =	simm.s32 $0x1E000;
	s23 =	simm.s32 $0x1E800  }
0xd: {  	s24 =	simm.s32 $0x1F000;
	s26 =	simm.s32 $0xA800;
	s15 =	simm.s32 $0x10000  }
0xe: {  	s13 =	sor.u32 s8, s5;
	s7 =	sshrl.u32 s17, $0x1;
	[dreg:$0x11] =	wrdreg s22  }
0xf: {  	s5 =	sadd.s32 $0x200, s1;
	s9 =	sor.u32 s19, s18;
	[dreg:$0x12] =	wrdreg s23  }
0x10: {  	s8 =	sadd.s32 $0x800, s1;
	[dreg:$0x13] =	wrdreg s24;
	s24 =	simm.s32 $0x2  }
0x11: {  	s22 =	simm.s32 $0x6;
	s23 =	simm.s32 $0x8;
	s6 =	sshll.u32 s13, $0xC  }
0x12: {  	s14 =	ssub.s32 s17, s7;
	s7 =	sadd.s32 $0x600, s1;
	s9 =	sadd.s32 s9, s4  }
0x13: {  	s21 =	sshll.u32 s13, $0x13;
	s13 =	simm.s32 $0x1A800;
	[dreg:$0x1b] =	wrdreg s9  }
0x14: {  	s17 =	simm.s32 $0x1B800;
	s0 =	sadd.s32 s6, s0;
	[dreg:$0xb] =	wrdreg s13  }
0x15: {  	s6 =	sadd.s32 $0x400, s1;
	s12 =	sadd.s32 $0x2000, s9;
	[dreg:$0xd] =	wrdreg s17  }
0x16: {  	s20 =	sadd.s32 $0x1000, s9;
	s2 =	sadd.s32 s21, s4;
	[dreg:$0x4] =	wrdreg s12  }
0x17: {  	s16 =	smax.u32 s14, $0x1;
	s21 =	simm.s32 $0x1D800;
	[dreg:$0x6] =	wrdreg s20  }
0x18: {  	s14 =	simm.s32 $0x1;
	s13 =	simm.s32 $0x3;
	[dreg:$0x1a] =	wrdreg s16  }
0x19: {  	s17 =	simm.s32 $0x4;
	s0 =	sadd.s32 $0x400, s0;
	[dreg:$0x10] =	wrdreg s21  }
0x1a: {  	s12 =	sadd.s32 $0xE00, s1;
	s25 =	sadd.s32 $0x7E800, s2;
	[dreg:$0x15] =	wrdreg s0  }
0x1b: {  	s9 =	sadd.s32 $0x7F000, s2;
	s20 =	simm.s32 $0x1D000;
	[dreg:$0x17] =	wrdreg s25  }
0x1c: {  	s16 =	simm.s32 $0x18000;
	s21 =	simm.s32 $0x7;
	[dreg:$0x18] =	wrdreg s9  }
0x1d: {  	s0 =	sadd.s32 s18, s4;
	s4 =	sadd.s32 $0x7E000, s2;
	[dreg:$0xf] =	wrdreg s20  }
0x1e: {  	s2 =	sadd.s32 $0x7F800, s2;
	s18 =	simm.s32 $0x1C800;
	[dreg:$0x16] =	wrdreg s4  }
0x1f: {  	s9 =	simm.s32 $0xA000;
	s25 =	simm.s32 $0x1F800;
	[dreg:$0x19] =	wrdreg s2  }
0x20: {  	s20 =	simm.s32 $0x5;
	s0 =	sadd.s32 s19, s0;
	[dreg:$0xe] =	wrdreg s18  }
0x21: {  	v0 =	vlaneseq.u32;
	s19 =	simm.s32 $0x8000;
	s2 =	simm.s32 $0x9000;
	[dreg:$0x14] =	wrdreg s25  }
0x22: {  	v1 =	vshrl.u32 v0, $0x2;
	s4 =	simm.s32 $0x9800;
	[dreg:$0x5] =	wrdreg s0;
	s0 =	simm.s32 $0x0  }
0x23: {  	vm0 =	vmmov $0xffff;
	v0 =	vand.u32 $0x3, v0;
	v1 =	vmul.u32 $0x8, v1;
	s25 =	simm.s32 $0x14000;
	s18 =	simm.s32 $0x1C000;
	[dreg:$0x1c] =	wrdreg s0  }
.LBB2_1:
0x24: {  	s0 =	rddreg [dreg:$0x15]  }
0x25: {  	[tilespmem:s3], [sflag:$0xD] =	stream.linear.gather [hbm4b:s0+s3], $0x8000, $0x38;
	v63 =	vld [tilespmem:$0x0]  }
0x26: {  	s0 =	simm.s32 $0xD  }
0x27: {  	_ =	swait.ge [sflag:s0], $0x8000  }
0x28: {  	[sflag:s0] =	ssyncset.done $0x0  }
0x29: {  	[sflag:s0] =	ssyncadd.s32 $0xFFFF8000  }
0x2a: {  	v2 =	vld.msk [tilespmem:$0x0], $0xf;
	_ =	sdelay $0x4  }
0x2b: {  	v3 =	vshll.u32 v2, $0x5  }
0x2c: {  	v2 =	vand.u32 $0x7, v2;
	v3 =	vand.u32 $0xFFFFFF00, v3  }
0x2d: {  	v2 =	vor.u32 v2, v3  }
0x2e: {  	v2 =	vperm.xlane v2, v0;
	_ =	sdelay $0x1  }
0x2f: {  	v2 =	vadd.s32 v1, v2;
	_ =	sdelay $0x4  }
0x30: {  	[tilespmem:s19], [sflag:$0x1] =	stream.indirect_vreg.gather [hbm4b:s1+s3], $0x80, v2, vm0, $0xb8;
	v63 =	vld [tilespmem:$0x0]  }
0x31: {  	_ = 	snop  }
0x32: {  	[tilespmem:s31], [sflag:$0x1] =	stream.indirect_vreg.gather [hbm4b:s5+s3], $0x80, v2, vm0, $0xb8;
	v63 =	vld [tilespmem:$0x0]  }
0x33: {  	_ = 	snop  }
0x34: {  	[tilespmem:s2], [sflag:$0x1] =	stream.indirect_vreg.gather [hbm4b:s6+s3], $0x80, v2, vm0, $0xb8;
	v63 =	vld [tilespmem:$0x0]  }
0x35: {  	_ = 	snop  }
0x36: {  	[tilespmem:s4], [sflag:$0x1] =	stream.indirect_vreg.gather [hbm4b:s7+s3], $0x80, v2, vm0, $0xb8;
	v63 =	vld [tilespmem:$0x0]  }
0x37: {  	_ = 	snop  }
0x38: {  	[tilespmem:s9], [sflag:$0x1] =	stream.indirect_vreg.gather [hbm4b:s8+s3], $0x80, v2, vm0, $0xb8;
	v63 =	vld [tilespmem:$0x0]  }
0x39: {  	_ = 	snop  }
0x3a: {  	[tilespmem:s26], [sflag:$0x1] =	stream.indirect_vreg.gather [hbm4b:s10+s3], $0x80, v2, vm0, $0xb8;
	v63 =	vld [tilespmem:$0x0]  }
0x3b: {  	_ = 	snop  }
0x3c: {  	[tilespmem:s29], [sflag:$0x1] =	stream.indirect_vreg.gather [hbm4b:s11+s3], $0x80, v2, vm0, $0xb8;
	v63 =	vld [tilespmem:$0x0]  }
0x3d: {  	_ = 	snop  }
0x3e: {  	[tilespmem:s30], [sflag:$0x1] =	stream.indirect_vreg.gather [hbm4b:s12+s3], $0x80, v2, vm0, $0xb8;
	v63 =	vld [tilespmem:$0x0]  }
0x3f: {  	v2 =	vld.msk [tilespmem:$0x80], $0xf;
	_ =	sdelay $0x4  }
0x40: {  	v3 =	vshll.u32 v2, $0x5  }
0x41: {  	v2 =	vand.u32 $0x7, v2;
	v3 =	vand.u32 $0xFFFFFF00, v3  }
0x42: {  	v2 =	vor.u32 v2, v3  }
0x43: {  	v2 =	vperm.xlane v2, v0;
	_ =	sdelay $0x1  }
0x44: {  	v2 =	vadd.s32 v1, v2;
	_ =	sdelay $0x4  }
0x45: {  	[tilespmem:s28], [sflag:$0x2] =	stream.indirect_vreg.gather [hbm4b:s1+s3], $0x80, v2, vm0, $0xb8;
	v63 =	vld [tilespmem:$0x0]  }
0x46: {  	s4 =	simm.s32 $0xC800  }
0x47: {  	[tilespmem:s4], [sflag:$0x2] =	stream.indirect_vreg.gather [hbm4b:s5+s3], $0x80, v2, vm0, $0xb8;
	v63 =	vld [tilespmem:$0x0]  }
0x48: {  	s9 =	simm.s32 $0xD000  }
0x49: {  	[tilespmem:s9], [sflag:$0x2] =	stream.indirect_vreg.gather [hbm4b:s6+s3], $0x80, v2, vm0, $0xb8;
	v63 =	vld [tilespmem:$0x0]  }
0x4a: {  	s26 =	simm.s32 $0xD800  }
0x4b: {  	[tilespmem:s26], [sflag:$0x2] =	stream.indirect_vreg.gather [hbm4b:s7+s3], $0x80, v2, vm0, $0xb8;
	v63 =	vld [tilespmem:$0x0]  }
0x4c: {  	s30 =	simm.s32 $0xE000  }
0x4d: {  	[tilespmem:s30], [sflag:$0x2] =	stream.indirect_vreg.gather [hbm4b:s8+s3], $0x80, v2, vm0, $0xb8;
	v63 =	vld [tilespmem:$0x0]  }
0x4e: {  	s31 =	simm.s32 $0xE800  }
0x4f: {  	[tilespmem:s31], [sflag:$0x2] =	stream.indirect_vreg.gather [hbm4b:s10+s3], $0x80, v2, vm0, $0xb8;
	v63 =	vld [tilespmem:$0x0]  }
0x50: {  	s2 =	rddreg [dreg:$0x1b];
	s9 =	simm.s32 $0xF000  }
0x51: {  	[tilespmem:s9], [sflag:$0x2] =	stream.indirect_vreg.gather [hbm4b:s11+s3], $0x80, v2, vm0, $0xb8;
	v63 =	vld [tilespmem:$0x0]  }
0x52: {  	s29 =	simm.s32 $0x0;
	s4 =	simm.s32 $0xF800;
	s26 =	simm.s32 $0x200  }
0x53: {  	[tilespmem:s4], [sflag:$0x2] =	stream.indirect_vreg.gather [hbm4b:s12+s3], $0x80, v2, vm0, $0xb8;
	v63 =	vld [tilespmem:$0x0]  }
.LBB2_2:
0x54: {  	_ =	swait.ge [sflag:s14], $0x4000  }
0x55: {  	s30 =	rddreg [dreg:$0x5];
	[sflag:s14] =	ssyncset.done $0x0  }
0x56: {  	p0 =	seq.s32 s29, $0x0;
	[sflag:s14] =	ssyncadd.s32 $0xFFFFC000;
	s30 =	sadd.s32 s29, s30  }
0x57: {  	[hbm4b:s30+s3] =	stream.linear.scatter [tilespmem:s19], [sflag:$0x7], $0x4000, $0x38;
	v63 =	vld [tilespmem:$0x0]  }
0x58: {  	s30 =	simm.s32 @!p0 $0x9  }
0x59: {  	_ =	swait.ge @!p0 [sflag:s30], $0x4000  }
0x5a: {  	[sflag:s30] =	ssyncset.done @!p0 $0x0  }
0x5b: {  	[sflag:s30] =	ssyncadd.s32 @!p0 $0xFFFFC000  }
0x5c: {  	v2 =	vld.msk [tilespmem:s26+$0xFFFFFF00], $0xf;
	_ =	sdelay $0x4  }
0x5d: {  	v3 =	vshll.u32 v2, $0x5  }
0x5e: {  	v2 =	vand.u32 $0x7, v2;
	v3 =	vand.u32 $0xFFFFFF00, v3  }
0x5f: {  	v2 =	vor.u32 v2, v3  }
0x60: {  	v2 =	vperm.xlane v2, v0;
	_ =	sdelay $0x1  }
0x61: {  	v2 =	vadd.s32 v1, v2;
	_ =	sdelay $0x4  }
0x62: {  	[tilespmem:s15], [sflag:$0x3] =	stream.indirect_vreg.gather [hbm4b:s1+s3], $0x80, v2, vm0, $0xb8;
	v63 =	vld [tilespmem:$0x0]  }
0x63: {  	s0 =	simm.s32 $0x10800  }
0x64: {  	[tilespmem:s0], [sflag:$0x3] =	stream.indirect_vreg.gather [hbm4b:s5+s3], $0x80, v2, vm0, $0xb8;
	v63 =	vld [tilespmem:$0x0]  }
0x65: {  	s30 =	simm.s32 $0x11000  }
0x66: {  	[tilespmem:s30], [sflag:$0x3] =	stream.indirect_vreg.gather [hbm4b:s6+s3], $0x80, v2, vm0, $0xb8;
	v63 =	vld [tilespmem:$0x0]  }
0x67: {  	s30 =	simm.s32 $0x11800  }
0x68: {  	[tilespmem:s30], [sflag:$0x3] =	stream.indirect_vreg.gather [hbm4b:s7+s3], $0x80, v2, vm0, $0xb8;
	v63 =	vld [tilespmem:$0x0]  }
0x69: {  	s30 =	simm.s32 $0x12000  }
0x6a: {  	[tilespmem:s30], [sflag:$0x3] =	stream.indirect_vreg.gather [hbm4b:s8+s3], $0x80, v2, vm0, $0xb8;
	v63 =	vld [tilespmem:$0x0]  }
0x6b: {  	s30 =	simm.s32 $0x12800  }
0x6c: {  	[tilespmem:s30], [sflag:$0x3] =	stream.indirect_vreg.gather [hbm4b:s10+s3], $0x80, v2, vm0, $0xb8;
	v63 =	vld [tilespmem:$0x0]  }
0x6d: {  	s30 =	simm.s32 $0x13000  }
0x6e: {  	[tilespmem:s30], [sflag:$0x3] =	stream.indirect_vreg.gather [hbm4b:s11+s3], $0x80, v2, vm0, $0xb8;
	v63 =	vld [tilespmem:$0x0]  }
0x6f: {  	s30 =	simm.s32 $0x13800  }
0x70: {  	[tilespmem:s30], [sflag:$0x3] =	stream.indirect_vreg.gather [hbm4b:s12+s3], $0x80, v2, vm0, $0xb8;
	v63 =	vld [tilespmem:$0x0]  }
0x71: {  	_ =	swait.ge [sflag:s24], $0x4000  }
0x72: {  	s30 =	sadd.s32 s29, s2;
	[sflag:s24] =	ssyncset.done $0x0  }
0x73: {  	s31 =	sadd.s32 $0x800, s30;
	[sflag:s24] =	ssyncadd.s32 $0xFFFFC000  }
0x74: {  	[hbm4b:s31+s3] =	stream.linear.scatter [tilespmem:s28], [sflag:$0x8], $0x4000, $0x38;
	v63 =	vld [tilespmem:$0x0]  }
0x75: {  	s31 =	simm.s32 @!p0 $0xA  }
0x76: {  	_ =	swait.ge @!p0 [sflag:s31], $0x4000  }
0x77: {  	[sflag:s31] =	ssyncset.done @!p0 $0x0  }
0x78: {  	[sflag:s31] =	ssyncadd.s32 @!p0 $0xFFFFC000  }
0x79: {  	v2 =	vld.msk [tilespmem:s26+$0xFFFFFF80], $0xf;
	_ =	sdelay $0x4  }
0x7a: {  	v3 =	vshll.u32 v2, $0x5  }
0x7b: {  	v2 =	vand.u32 $0x7, v2;
	v3 =	vand.u32 $0xFFFFFF00, v3  }
0x7c: {  	v2 =	vor.u32 v2, v3  }
0x7d: {  	v2 =	vperm.xlane v2, v0;
	_ =	sdelay $0x1  }
0x7e: {  	v2 =	vadd.s32 v1, v2;
	_ =	sdelay $0x4  }
0x7f: {  	[tilespmem:s25], [sflag:$0x4] =	stream.indirect_vreg.gather [hbm4b:s1+s3], $0x80, v2, vm0, $0xb8;
	v63 =	vld [tilespmem:$0x0]  }
0x80: {  	s0 =	simm.s32 $0x14800  }
0x81: {  	[tilespmem:s0], [sflag:$0x4] =	stream.indirect_vreg.gather [hbm4b:s5+s3], $0x80, v2, vm0, $0xb8;
	v63 =	vld [tilespmem:$0x0]  }
0x82: {  	s0 =	simm.s32 $0x15000  }
0x83: {  	[tilespmem:s0], [sflag:$0x4] =	stream.indirect_vreg.gather [hbm4b:s6+s3], $0x80, v2, vm0, $0xb8;
	v63 =	vld [tilespmem:$0x0]  }
0x84: {  	s0 =	simm.s32 $0x15800  }
0x85: {  	[tilespmem:s0], [sflag:$0x4] =	stream.indirect_vreg.gather [hbm4b:s7+s3], $0x80, v2, vm0, $0xb8;
	v63 =	vld [tilespmem:$0x0]  }
0x86: {  	s0 =	simm.s32 $0x16000  }
0x87: {  	[tilespmem:s0], [sflag:$0x4] =	stream.indirect_vreg.gather [hbm4b:s8+s3], $0x80, v2, vm0, $0xb8;
	v63 =	vld [tilespmem:$0x0]  }
0x88: {  	s0 =	simm.s32 $0x16800  }
0x89: {  	[tilespmem:s0], [sflag:$0x4] =	stream.indirect_vreg.gather [hbm4b:s10+s3], $0x80, v2, vm0, $0xb8;
	v63 =	vld [tilespmem:$0x0]  }
0x8a: {  	s0 =	simm.s32 $0x17000  }
0x8b: {  	[tilespmem:s0], [sflag:$0x4] =	stream.indirect_vreg.gather [hbm4b:s11+s3], $0x80, v2, vm0, $0xb8;
	v63 =	vld [tilespmem:$0x0]  }
0x8c: {  	s0 =	simm.s32 $0x17800  }
0x8d: {  	[tilespmem:s0], [sflag:$0x4] =	stream.indirect_vreg.gather [hbm4b:s12+s3], $0x80, v2, vm0, $0xb8;
	v63 =	vld [tilespmem:$0x0]  }
0x8e: {  	_ =	swait.ge [sflag:s13], $0x4000  }
0x8f: {  	s31 =	rddreg [dreg:$0x6];
	[sflag:s13] =	ssyncset.done $0x0  }
0x90: {  	[sflag:s13] =	ssyncadd.s32 $0xFFFFC000;
	s31 =	sadd.s32 s29, s31  }
0x91: {  	[hbm4b:s31+s3] =	stream.linear.scatter [tilespmem:s15], [sflag:$0x9], $0x4000, $0x38;
	v63 =	vld [tilespmem:$0x0]  }
0x92: {  	s31 =	simm.s32 @!p0 $0xB  }
0x93: {  	_ =	swait.ge @!p0 [sflag:s31], $0x4000  }
0x94: {  	[sflag:s31] =	ssyncset.done @!p0 $0x0  }
0x95: {  	[sflag:s31] =	ssyncadd.s32 @!p0 $0xFFFFC000  }
0x96: {  	v2 =	vld.msk [tilespmem:s26+$0x0], $0xf;
	_ =	sdelay $0x4  }
0x97: {  	v3 =	vshll.u32 v2, $0x5  }
0x98: {  	v2 =	vand.u32 $0x7, v2;
	v3 =	vand.u32 $0xFFFFFF00, v3  }
0x99: {  	v2 =	vor.u32 v2, v3  }
0x9a: {  	v2 =	vperm.xlane v2, v0;
	_ =	sdelay $0x1  }
0x9b: {  	v2 =	vadd.s32 v1, v2;
	_ =	sdelay $0x4  }
0x9c: {  	[tilespmem:s16], [sflag:$0x5] =	stream.indirect_vreg.gather [hbm4b:s1+s3], $0x80, v2, vm0, $0xb8;
	v63 =	vld [tilespmem:$0x0]  }
0x9d: {  	s31 =	rddreg [dreg:$0x7]  }
0x9e: {  	[tilespmem:s31], [sflag:$0x5] =	stream.indirect_vreg.gather [hbm4b:s5+s3], $0x80, v2, vm0, $0xb8;
	v63 =	vld [tilespmem:$0x0]  }
0x9f: {  	s0 =	rddreg [dreg:$0x8]  }
0xa0: {  	[tilespmem:s0], [sflag:$0x5] =	stream.indirect_vreg.gather [hbm4b:s6+s3], $0x80, v2, vm0, $0xb8;
	v63 =	vld [tilespmem:$0x0]  }
0xa1: {  	s31 =	rddreg [dreg:$0x9]  }
0xa2: {  	[tilespmem:s31], [sflag:$0x5] =	stream.indirect_vreg.gather [hbm4b:s7+s3], $0x80, v2, vm0, $0xb8;
	v63 =	vld [tilespmem:$0x0]  }
0xa3: {  	s0 =	rddreg [dreg:$0xa]  }
0xa4: {  	[tilespmem:s0], [sflag:$0x5] =	stream.indirect_vreg.gather [hbm4b:s8+s3], $0x80, v2, vm0, $0xb8;
	v63 =	vld [tilespmem:$0x0]  }
0xa5: {  	s31 =	rddreg [dreg:$0xb]  }
0xa6: {  	[tilespmem:s31], [sflag:$0x5] =	stream.indirect_vreg.gather [hbm4b:s10+s3], $0x80, v2, vm0, $0xb8;
	v63 =	vld [tilespmem:$0x0]  }
0xa7: {  	s0 =	rddreg [dreg:$0xc]  }
0xa8: {  	[tilespmem:s0], [sflag:$0x5] =	stream.indirect_vreg.gather [hbm4b:s11+s3], $0x80, v2, vm0, $0xb8;
	v63 =	vld [tilespmem:$0x0]  }
0xa9: {  	s31 =	rddreg [dreg:$0xd]  }
0xaa: {  	[tilespmem:s31], [sflag:$0x5] =	stream.indirect_vreg.gather [hbm4b:s12+s3], $0x80, v2, vm0, $0xb8;
	v63 =	vld [tilespmem:$0x0]  }
0xab: {  	_ =	swait.ge [sflag:s17], $0x4000  }
0xac: {  	[sflag:s17] =	ssyncset.done $0x0  }
0xad: {  	s0 =	sadd.s32 $0x1800, s30;
	[sflag:s17] =	ssyncadd.s32 $0xFFFFC000  }
0xae: {  	[hbm4b:s0+s3] =	stream.linear.scatter [tilespmem:s25], [sflag:$0xA], $0x4000, $0x38;
	v63 =	vld [tilespmem:$0x0]  }
0xaf: {  	s0 =	simm.s32 @!p0 $0xC  }
0xb0: {  	_ =	swait.ge @!p0 [sflag:s0], $0x4000  }
0xb1: {  	[sflag:s0] =	ssyncset.done @!p0 $0x0  }
0xb2: {  	[sflag:s0] =	ssyncadd.s32 @!p0 $0xFFFFC000  }
0xb3: {  	v2 =	vld.msk [tilespmem:s26+$0x80], $0xf;
	_ =	sdelay $0x4  }
0xb4: {  	v3 =	vshll.u32 v2, $0x5  }
0xb5: {  	v2 =	vand.u32 $0x7, v2;
	v3 =	vand.u32 $0xFFFFFF00, v3  }
0xb6: {  	v2 =	vor.u32 v2, v3  }
0xb7: {  	v2 =	vperm.xlane v2, v0;
	_ =	sdelay $0x1  }
0xb8: {  	v2 =	vadd.s32 v1, v2;
	_ =	sdelay $0x4  }
0xb9: {  	[tilespmem:s18], [sflag:$0x6] =	stream.indirect_vreg.gather [hbm4b:s1+s3], $0x80, v2, vm0, $0xb8;
	v63 =	vld [tilespmem:$0x0]  }
0xba: {  	s0 =	rddreg [dreg:$0xe]  }
0xbb: {  	[tilespmem:s0], [sflag:$0x6] =	stream.indirect_vreg.gather [hbm4b:s5+s3], $0x80, v2, vm0, $0xb8;
	v63 =	vld [tilespmem:$0x0]  }
0xbc: {  	s31 =	rddreg [dreg:$0xf]  }
0xbd: {  	[tilespmem:s31], [sflag:$0x6] =	stream.indirect_vreg.gather [hbm4b:s6+s3], $0x80, v2, vm0, $0xb8;
	v63 =	vld [tilespmem:$0x0]  }
0xbe: {  	s0 =	rddreg [dreg:$0x10]  }
0xbf: {  	[tilespmem:s0], [sflag:$0x6] =	stream.indirect_vreg.gather [hbm4b:s7+s3], $0x80, v2, vm0, $0xb8;
	v63 =	vld [tilespmem:$0x0]  }
0xc0: {  	s31 =	rddreg [dreg:$0x11]  }
0xc1: {  	[tilespmem:s31], [sflag:$0x6] =	stream.indirect_vreg.gather [hbm4b:s8+s3], $0x80, v2, vm0, $0xb8;
	v63 =	vld [tilespmem:$0x0]  }
0xc2: {  	s0 =	rddreg [dreg:$0x12]  }
0xc3: {  	[tilespmem:s0], [sflag:$0x6] =	stream.indirect_vreg.gather [hbm4b:s10+s3], $0x80, v2, vm0, $0xb8;
	v63 =	vld [tilespmem:$0x0]  }
0xc4: {  	s31 =	rddreg [dreg:$0x13]  }
0xc5: {  	[tilespmem:s31], [sflag:$0x6] =	stream.indirect_vreg.gather [hbm4b:s11+s3], $0x80, v2, vm0, $0xb8;
	v63 =	vld [tilespmem:$0x0]  }
0xc6: {  	s0 =	rddreg [dreg:$0x14]  }
0xc7: {  	[tilespmem:s0], [sflag:$0x6] =	stream.indirect_vreg.gather [hbm4b:s12+s3], $0x80, v2, vm0, $0xb8;
	v63 =	vld [tilespmem:$0x0]  }
0xc8: {  	_ =	swait.ge [sflag:s20], $0x4000  }
0xc9: {  	s0 =	rddreg [dreg:$0x4];
	[sflag:s20] =	ssyncset.done $0x0  }
0xca: {  	[sflag:s20] =	ssyncadd.s32 $0xFFFFC000;
	s0 =	sadd.s32 s29, s0  }
0xcb: {  	[hbm4b:s0+s3] =	stream.linear.scatter [tilespmem:s16], [sflag:$0xB], $0x4000, $0x38;
	v63 =	vld [tilespmem:$0x0]  }
0xcc: {  	_ =	swait.ge [sflag:s21], $0x4000  }
0xcd: {  	[sflag:s21] =	ssyncset.done $0x0  }
0xce: {  	[sflag:s21] =	ssyncadd.s32 $0xFFFFC000  }
0xcf: {  	v2 =	vld.msk [tilespmem:s26+$0x100], $0xf;
	_ =	sdelay $0x4  }
0xd0: {  	v3 =	vshll.u32 v2, $0x5  }
0xd1: {  	v2 =	vand.u32 $0x7, v2;
	v3 =	vand.u32 $0xFFFFFF00, v3  }
0xd2: {  	v2 =	vor.u32 v2, v3  }
0xd3: {  	v2 =	vperm.xlane v2, v0;
	_ =	sdelay $0x1  }
0xd4: {  	v2 =	vadd.s32 v1, v2;
	_ =	sdelay $0x4  }
0xd5: {  	[tilespmem:s19], [sflag:$0x1] =	stream.indirect_vreg.gather [hbm4b:s1+s3], $0x80, v2, vm0, $0xb8;
	v63 =	vld [tilespmem:$0x0]  }
0xd6: {  	s31 =	simm.s32 $0x8800  }
0xd7: {  	[tilespmem:s31], [sflag:$0x1] =	stream.indirect_vreg.gather [hbm4b:s5+s3], $0x80, v2, vm0, $0xb8;
	v63 =	vld [tilespmem:$0x0]  }
0xd8: {  	s0 =	simm.s32 $0x9000  }
0xd9: {  	[tilespmem:s0], [sflag:$0x1] =	stream.indirect_vreg.gather [hbm4b:s6+s3], $0x80, v2, vm0, $0xb8;
	v63 =	vld [tilespmem:$0x0]  }
0xda: {  	s0 =	simm.s32 $0x9800  }
0xdb: {  	[tilespmem:s0], [sflag:$0x1] =	stream.indirect_vreg.gather [hbm4b:s7+s3], $0x80, v2, vm0, $0xb8;
	v63 =	vld [tilespmem:$0x0]  }
0xdc: {  	s0 =	simm.s32 $0xA000  }
0xdd: {  	[tilespmem:s0], [sflag:$0x1] =	stream.indirect_vreg.gather [hbm4b:s8+s3], $0x80, v2, vm0, $0xb8;
	v63 =	vld [tilespmem:$0x0]  }
0xde: {  	s0 =	simm.s32 $0xA800  }
0xdf: {  	[tilespmem:s0], [sflag:$0x1] =	stream.indirect_vreg.gather [hbm4b:s10+s3], $0x80, v2, vm0, $0xb8;
	v63 =	vld [tilespmem:$0x0]  }
0xe0: {  	s0 =	simm.s32 $0xB000  }
0xe1: {  	[tilespmem:s0], [sflag:$0x1] =	stream.indirect_vreg.gather [hbm4b:s11+s3], $0x80, v2, vm0, $0xb8;
	v63 =	vld [tilespmem:$0x0]  }
0xe2: {  	s0 =	simm.s32 $0xB800  }
0xe3: {  	[tilespmem:s0], [sflag:$0x1] =	stream.indirect_vreg.gather [hbm4b:s12+s3], $0x80, v2, vm0, $0xb8;
	v63 =	vld [tilespmem:$0x0]  }
0xe4: {  	_ =	swait.ge [sflag:s22], $0x4000  }
0xe5: {  	[sflag:s22] =	ssyncset.done $0x0  }
0xe6: {  	s30 =	sadd.s32 $0x2800, s30;
	[sflag:s22] =	ssyncadd.s32 $0xFFFFC000  }
0xe7: {  	[hbm4b:s30+s3] =	stream.linear.scatter [tilespmem:s18], [sflag:$0xC], $0x4000, $0x38;
	v63 =	vld [tilespmem:$0x0]  }
0xe8: {  	_ =	swait.ge [sflag:s23], $0x4000  }
0xe9: {  	[sflag:s23] =	ssyncset.done $0x0  }
0xea: {  	[sflag:s23] =	ssyncadd.s32 $0xFFFFC000  }
0xeb: {  	v2 =	vld.msk [tilespmem:s26+$0x180], $0xf;
	_ =	sdelay $0x4  }
0xec: {  	v3 =	vshll.u32 v2, $0x5  }
0xed: {  	v2 =	vand.u32 $0x7, v2;
	v3 =	vand.u32 $0xFFFFFF00, v3  }
0xee: {  	v2 =	vor.u32 v2, v3  }
0xef: {  	v2 =	vperm.xlane v2, v0;
	_ =	sdelay $0x1  }
0xf0: {  	v2 =	vadd.s32 v1, v2;
	_ =	sdelay $0x4  }
0xf1: {  	[tilespmem:s28], [sflag:$0x2] =	stream.indirect_vreg.gather [hbm4b:s1+s3], $0x80, v2, vm0, $0xb8;
	v63 =	vld [tilespmem:$0x0]  }
0xf2: {  	s30 =	simm.s32 $0xC800  }
0xf3: {  	[tilespmem:s30], [sflag:$0x2] =	stream.indirect_vreg.gather [hbm4b:s5+s3], $0x80, v2, vm0, $0xb8;
	v63 =	vld [tilespmem:$0x0]  }
0xf4: {  	s30 =	simm.s32 $0xD000  }
0xf5: {  	[tilespmem:s30], [sflag:$0x2] =	stream.indirect_vreg.gather [hbm4b:s6+s3], $0x80, v2, vm0, $0xb8;
	v63 =	vld [tilespmem:$0x0]  }
0xf6: {  	s30 =	simm.s32 $0xD800  }
0xf7: {  	[tilespmem:s30], [sflag:$0x2] =	stream.indirect_vreg.gather [hbm4b:s7+s3], $0x80, v2, vm0, $0xb8;
	v63 =	vld [tilespmem:$0x0]  }
0xf8: {  	s29 =	sadd.s32 $0x3000, s29;
	s30 =	simm.s32 $0xE000  }
0xf9: {  	[tilespmem:s30], [sflag:$0x2] =	stream.indirect_vreg.gather [hbm4b:s8+s3], $0x80, v2, vm0, $0xb8;
	v63 =	vld [tilespmem:$0x0]  }
0xfa: {  	p0 =	sne.s32 s29, $0x7E000;
	s30 =	simm.s32 $0xE800  }
0xfb: {  	[tilespmem:s30], [sflag:$0x2] =	stream.indirect_vreg.gather [hbm4b:s10+s3], $0x80, v2, vm0, $0xb8;
	v63 =	vld [tilespmem:$0x0]  }
.Ltmp0:
0xfc: {  	_ = 	snop;
	(pc) =	sbr.rel @p0 .LBB2_2-.Ltmp0, $4  }
0xfd: {  	_ = 	snop  }
0xfe: {  	[tilespmem:s9], [sflag:$0x2] =	stream.indirect_vreg.gather [hbm4b:s11+s3], $0x80, v2, vm0, $0xb8;
	v63 =	vld [tilespmem:$0x0]  }
0xff: {  	s26 =	sadd.s32 $0x300, s26  }
0x100: {  	[tilespmem:s4], [sflag:$0x2] =	stream.indirect_vreg.gather [hbm4b:s12+s3], $0x80, v2, vm0, $0xb8;
	v63 =	vld [tilespmem:$0x0]  }
0x101: {  	_ =	swait.ge [sflag:s14], $0x4000  }
0x102: {  	[sflag:s14] =	ssyncset.done $0x0  }
0x103: {  	s2 =	simm.s32 $0x9;
	s0 =	rddreg [dreg:$0x16];
	[sflag:s14] =	ssyncadd.s32 $0xFFFFC000  }
0x104: {  	[hbm4b:s0+s3] =	stream.linear.scatter [tilespmem:s19], [sflag:$0x7], $0x4000, $0x38;
	v63 =	vld [tilespmem:$0x0]  }
0x105: {  	_ =	swait.ge [sflag:s2], $0x4000  }
0x106: {  	[sflag:s2] =	ssyncset.done $0x0  }
0x107: {  	[sflag:s2] =	ssyncadd.s32 $0xFFFFC000  }
0x108: {  	v2 =	vld.msk [tilespmem:$0x7F00], $0xf;
	_ =	sdelay $0x4  }
0x109: {  	v3 =	vshll.u32 v2, $0x5  }
0x10a: {  	v2 =	vand.u32 $0x7, v2;
	v3 =	vand.u32 $0xFFFFFF00, v3  }
0x10b: {  	v2 =	vor.u32 v2, v3  }
0x10c: {  	v2 =	vperm.xlane v2, v0;
	_ =	sdelay $0x1  }
0x10d: {  	v2 =	vadd.s32 v1, v2;
	_ =	sdelay $0x4  }
0x10e: {  	[tilespmem:s15], [sflag:$0x3] =	stream.indirect_vreg.gather [hbm4b:s1+s3], $0x80, v2, vm0, $0xb8;
	v63 =	vld [tilespmem:$0x0]  }
0x10f: {  	s4 =	simm.s32 $0x10800  }
0x110: {  	[tilespmem:s4], [sflag:$0x3] =	stream.indirect_vreg.gather [hbm4b:s5+s3], $0x80, v2, vm0, $0xb8;
	v63 =	vld [tilespmem:$0x0]  }
0x111: {  	s9 =	simm.s32 $0x11000  }
0x112: {  	[tilespmem:s9], [sflag:$0x3] =	stream.indirect_vreg.gather [hbm4b:s6+s3], $0x80, v2, vm0, $0xb8;
	v63 =	vld [tilespmem:$0x0]  }
0x113: {  	s26 =	simm.s32 $0x11800  }
0x114: {  	[tilespmem:s26], [sflag:$0x3] =	stream.indirect_vreg.gather [hbm4b:s7+s3], $0x80, v2, vm0, $0xb8;
	v63 =	vld [tilespmem:$0x0]  }
0x115: {  	s4 =	simm.s32 $0x12000  }
0x116: {  	[tilespmem:s4], [sflag:$0x3] =	stream.indirect_vreg.gather [hbm4b:s8+s3], $0x80, v2, vm0, $0xb8;
	v63 =	vld [tilespmem:$0x0]  }
0x117: {  	s9 =	simm.s32 $0x12800  }
0x118: {  	[tilespmem:s9], [sflag:$0x3] =	stream.indirect_vreg.gather [hbm4b:s10+s3], $0x80, v2, vm0, $0xb8;
	v63 =	vld [tilespmem:$0x0]  }
0x119: {  	s26 =	simm.s32 $0x13000  }
0x11a: {  	[tilespmem:s26], [sflag:$0x3] =	stream.indirect_vreg.gather [hbm4b:s11+s3], $0x80, v2, vm0, $0xb8;
	v63 =	vld [tilespmem:$0x0]  }
0x11b: {  	s4 =	simm.s32 $0x13800  }
0x11c: {  	[tilespmem:s4], [sflag:$0x3] =	stream.indirect_vreg.gather [hbm4b:s12+s3], $0x80, v2, vm0, $0xb8;
	v63 =	vld [tilespmem:$0x0]  }
0x11d: {  	_ =	swait.ge [sflag:s24], $0x4000  }
0x11e: {  	[sflag:s24] =	ssyncset.done $0x0  }
0x11f: {  	s4 =	simm.s32 $0xA;
	s9 =	rddreg [dreg:$0x17];
	[sflag:s24] =	ssyncadd.s32 $0xFFFFC000  }
0x120: {  	[hbm4b:s9+s3] =	stream.linear.scatter [tilespmem:s28], [sflag:$0x8], $0x4000, $0x38;
	v63 =	vld [tilespmem:$0x0]  }
0x121: {  	_ =	swait.ge [sflag:s4], $0x4000  }
0x122: {  	[sflag:s4] =	ssyncset.done $0x0  }
0x123: {  	[sflag:s4] =	ssyncadd.s32 $0xFFFFC000  }
0x124: {  	v2 =	vld.msk [tilespmem:$0x7F80], $0xf;
	_ =	sdelay $0x4  }
0x125: {  	v3 =	vshll.u32 v2, $0x5  }
0x126: {  	v2 =	vand.u32 $0x7, v2;
	v3 =	vand.u32 $0xFFFFFF00, v3  }
0x127: {  	v2 =	vor.u32 v2, v3  }
0x128: {  	v2 =	vperm.xlane v2, v0;
	_ =	sdelay $0x1  }
0x129: {  	v2 =	vadd.s32 v1, v2;
	_ =	sdelay $0x4  }
0x12a: {  	[tilespmem:s25], [sflag:$0x4] =	stream.indirect_vreg.gather [hbm4b:s1+s3], $0x80, v2, vm0, $0xb8;
	v63 =	vld [tilespmem:$0x0]  }
0x12b: {  	s26 =	simm.s32 $0x14800  }
0x12c: {  	[tilespmem:s26], [sflag:$0x4] =	stream.indirect_vreg.gather [hbm4b:s5+s3], $0x80, v2, vm0, $0xb8;
	v63 =	vld [tilespmem:$0x0]  }
0x12d: {  	s9 =	simm.s32 $0x15000  }
0x12e: {  	[tilespmem:s9], [sflag:$0x4] =	stream.indirect_vreg.gather [hbm4b:s6+s3], $0x80, v2, vm0, $0xb8;
	v63 =	vld [tilespmem:$0x0]  }
0x12f: {  	s26 =	simm.s32 $0x15800  }
0x130: {  	[tilespmem:s26], [sflag:$0x4] =	stream.indirect_vreg.gather [hbm4b:s7+s3], $0x80, v2, vm0, $0xb8;
	v63 =	vld [tilespmem:$0x0]  }
0x131: {  	s9 =	simm.s32 $0x16000  }
0x132: {  	[tilespmem:s9], [sflag:$0x4] =	stream.indirect_vreg.gather [hbm4b:s8+s3], $0x80, v2, vm0, $0xb8;
	v63 =	vld [tilespmem:$0x0]  }
0x133: {  	s26 =	simm.s32 $0x16800  }
0x134: {  	[tilespmem:s26], [sflag:$0x4] =	stream.indirect_vreg.gather [hbm4b:s10+s3], $0x80, v2, vm0, $0xb8;
	v63 =	vld [tilespmem:$0x0]  }
0x135: {  	s9 =	simm.s32 $0x17000  }
0x136: {  	[tilespmem:s9], [sflag:$0x4] =	stream.indirect_vreg.gather [hbm4b:s11+s3], $0x80, v2, vm0, $0xb8;
	v63 =	vld [tilespmem:$0x0]  }
0x137: {  	s26 =	simm.s32 $0x17800  }
0x138: {  	[tilespmem:s26], [sflag:$0x4] =	stream.indirect_vreg.gather [hbm4b:s12+s3], $0x80, v2, vm0, $0xb8;
	v63 =	vld [tilespmem:$0x0]  }
0x139: {  	_ =	swait.ge [sflag:s13], $0x4000  }
0x13a: {  	[sflag:s13] =	ssyncset.done $0x0  }
0x13b: {  	s9 =	rddreg [dreg:$0x18];
	[sflag:s13] =	ssyncadd.s32 $0xFFFFC000  }
0x13c: {  	[hbm4b:s9+s3] =	stream.linear.scatter [tilespmem:s15], [sflag:$0x9], $0x4000, $0x38;
	v63 =	vld [tilespmem:$0x0]  }
0x13d: {  	_ =	swait.ge [sflag:s17], $0x4000  }
0x13e: {  	[sflag:s17] =	ssyncset.done $0x0  }
0x13f: {  	s9 =	simm.s32 $0xB;
	s26 =	rddreg [dreg:$0x19];
	[sflag:s17] =	ssyncadd.s32 $0xFFFFC000  }
0x140: {  	[hbm4b:s26+s3] =	stream.linear.scatter [tilespmem:s25], [sflag:$0xA], $0x4000, $0x38;
	v63 =	vld [tilespmem:$0x0]  }
0x141: {  	_ =	swait.ge [sflag:s9], $0x4000  }
0x142: {  	[sflag:s9] =	ssyncset.done $0x0  }
0x143: {  	s26 =	simm.s32 $0xC;
	[sflag:s9] =	ssyncadd.s32 $0xFFFFC000  }
0x144: {  	_ =	swait.ge [sflag:s26], $0x4000  }
0x145: {  	[sflag:s26] =	ssyncset.done $0x0  }
0x146: {  	[sflag:s26] =	ssyncadd.s32 $0xFFFFC000  }
0x147: {  	_ =	swait.ge [sflag:s21], $0x4000  }
0x148: {  	[sflag:s21] =	ssyncset.done $0x0  }
0x149: {  	[sflag:s21] =	ssyncadd.s32 $0xFFFFC000  }
0x14a: {  	_ =	swait.ge [sflag:s23], $0x4000  }
0x14b: {  	[sflag:s23] =	ssyncset.done $0x0  }
0x14c: {  	[sflag:s23] =	ssyncadd.s32 $0xFFFFC000  }
0x14d: {  	_ =	swait.ge [sflag:s2], $0x4000  }
0x14e: {  	[sflag:s2] =	ssyncset.done $0x0  }
0x14f: {  	[sflag:s2] =	ssyncadd.s32 $0xFFFFC000  }
0x150: {  	_ =	swait.ge [sflag:s4], $0x4000  }
0x151: {  	s9 =	rddreg [dreg:$0x1c]  }
0x152: {  	s26 =	rddreg [dreg:$0x1a];
	s2 =	sadd.s32 $0x1, s9  }
0x153: {  	p0 =	sne.s32 s2, s26  }
.Ltmp1:
0x154: {  	_ = 	snop;
	(pc) =	sbr.rel @p0 .LBB2_1-.Ltmp1, $4  }
0x155: {  	_ = 	snop  }
0x156: {  	s29 =	simm.s32 $0xB000;
	s30 =	simm.s32 $0xB800;
	[sflag:s4] =	ssyncset.done $0x0  }
0x157: {  	[sflag:s4] =	ssyncadd.s32 $0xFFFFC000;
	s4 =	simm.s32 $0x9800;
	s9 =	simm.s32 $0xA000  }
0x158: {  	[dreg:$0x1c] =	wrdreg s2;
	s2 =	simm.s32 $0x9000;
	s26 =	simm.s32 $0xA800  }
0x159: {  	_ =	sfence.sel $0x180000  }
0x15a: {  	[bflag:$0x0] =	sbarrier.arrive $0xFFFF  }
0x15b: {  	_ =	strace $0x90000047  }
0x15c: {  	s0 =	stileid.u32;
	[bflag:$0x2] =	sbarrier.arrive $0xFFFF  }
0x15d: {  	p0 =	sne.s32 s0, $0x0;
	s0 =	rddreg [dreg:$0x3]  }
0x15e: {  	s0 =	sadd.s32 @!p0 $0x100000, s0  }
0x15f: {  	[sflag:s0] =	ssyncadd.tile.s32 @!p0 $0x1;
	_ =	shalt  }
.Lfunc_end2:
_tile_overlayer_lowered:
.L_overlay_start_2:
0x160: {  	(tag) =	ssettag $0x2  }
0x161: {  	s0 =	rddreg [dreg:$0x0];
	s2 =	stileid.u32  }
0x162: {  	s1 =	rddreg [dreg:$0x1];
	p0 =	sne.s32 s2, $0x0  }
0x163: {  	s3 =	rddreg [dreg:$0x2];
	[bflag:$0x3] =	sbarrier.arrive $0xFFFF;
	s2 =	simm.s32 @!p0 $0x1C0D  }
0x164: {  	[timem:s3], [sflag:s2] =	dma.local @!p0 [hbm:s0], s1  }
0x165: {  	s0 =	simm.s32 @!p0 $0xD  }
0x166: {  	_ =	swait.ge @!p0 [sflag:s0], s1  }
0x167: {  	s1 =	ssub.s32 @!p0 $0x0, s1;
	[sflag:s0] =	ssyncset.done @!p0 $0x0  }
0x168: {  	[sflag:s0] =	ssyncadd.s32 @!p0 s1  }
0x169: {  	[bflag:$0x3] =	sbarrier.arrive $0xFFFF  }
0x16a: {  	_ =	shalt  }

</sc_bundles>
